<compile_context>
chip_gen: v7x
topology: tpu7x:2x2x1
jax: 0.10.2.dev20260603
libtpu: 0.0.44.dev20260713+nightly
codegen_flags: <defaults>
</compile_context>

<pallas_src>
import functools

import jax
import jax.numpy as jnp
from jax import lax
from jax.experimental import pallas as pl
from jax.experimental.pallas import tpu as pltpu
from jax.experimental.pallas import tpu_sc as plsc

NC = 2
NS = 16
LN = 16
NW = NC * NS
CH = 128
KF = 4
DS = 32


def _sc_mesh():
    return plsc.VectorSubcoreMesh(
        core_axis_name="c", subcore_axis_name="s",
        num_cores=NC, num_subcores=NS)


def _degree_kernel(col2, n_hist, cpw):
    rpt = n_hist // NS

    @functools.partial(
        pl.kernel,
        out_type=jax.ShapeDtypeStruct((NC, n_hist), jnp.float32),
        mesh=_sc_mesh(),
        compiler_params=pltpu.CompilerParams(use_tc_tiling_on_sc=False),
        scratch_types=[
            pltpu.VMEM((cpw, CH), jnp.int32),
            pltpu.VMEM((CH,), jnp.float32),
            pltpu.VMEM((rpt,), jnp.float32),
            pltpu.VMEM_SHARED((n_hist,), jnp.float32),
        ],
    )
    def k(col_hbm, deg_hbm, colbuf, ones_v, tbuf, deg_sh):
        ci = lax.axis_index("c")
        s = lax.axis_index("s")
        w = s * NC + ci
        for j in range(CH // LN):
            ones_v[pl.ds(j * LN, LN)] = jnp.ones((LN,), jnp.float32)

        def zero_body(i, _):
            tbuf[pl.ds(i * LN, LN)] = jnp.zeros((LN,), jnp.float32)
            return 0
        lax.fori_loop(0, rpt // LN, zero_body, 0)
        pltpu.sync_copy(tbuf, deg_sh.at[pl.ds(s * rpt, rpt)])
        pltpu.sync_copy(col_hbm.at[pl.ds(w * cpw, cpw)], colbuf)
        plsc.subcore_barrier()

        def body(ch, _):
            pltpu.sync_copy(ones_v, deg_sh.at[colbuf.at[ch]], add=True)
            return 0
        lax.fori_loop(0, cpw, body, 0)
        plsc.subcore_barrier()

        pltpu.sync_copy(deg_sh.at[pl.ds(s * rpt, rpt)], tbuf)
        pltpu.sync_copy(tbuf, deg_hbm.at[ci, pl.ds(s * rpt, rpt)])

    return k(col2)


def _edge_kernel(ytabs, row2, col2, n_hist, cpw):
    rpt = n_hist // NS

    @functools.partial(
        pl.kernel,
        out_type=[jax.ShapeDtypeStruct((NC, n_hist, DS), jnp.float32)
                  for _ in range(KF)],
        mesh=_sc_mesh(),
        compiler_params=pltpu.CompilerParams(use_tc_tiling_on_sc=False),
        scratch_types=[
            pltpu.VMEM((cpw, CH), jnp.int32),
            pltpu.VMEM((cpw, CH), jnp.int32),
            pltpu.VMEM((CH, DS), jnp.float32),
            pltpu.VMEM((rpt, DS), jnp.float32),
            pltpu.VMEM_SHARED((n_hist, DS), jnp.float32),
            pltpu.SemaphoreType.DMA,
        ],
    )
    def k(y0, y1, y2, y3, row_hbm, col_hbm, a0, a1, a2, a3,
          rowbuf, colbuf, rows_v, zbuf, acc_sh, sem):
        ci = lax.axis_index("c")
        s = lax.axis_index("s")
        w = s * NC + ci
        ys = [y0, y1, y2, y3]
        accs = [a0, a1, a2, a3]

        pltpu.sync_copy(row_hbm.at[pl.ds(w * cpw, cpw)], rowbuf)
        pltpu.sync_copy(col_hbm.at[pl.ds(w * cpw, cpw)], colbuf)

        def zero_body(i, _):
            for j in range(DS // LN):
                zbuf[i, pl.ds(j * LN, LN)] = jnp.zeros((LN,), jnp.float32)
            return 0
        lax.fori_loop(0, rpt, zero_body, 0)

        for kk in range(KF):
            pltpu.sync_copy(zbuf, acc_sh.at[pl.ds(s * rpt, rpt)])
            plsc.subcore_barrier()
            y_t = ys[kk]

            def body(ch, _, _y=y_t):
                pltpu.async_copy(_y.at[rowbuf.at[ch]], rows_v, sem).wait()
                pltpu.sync_copy(rows_v, acc_sh.at[colbuf.at[ch]], add=True)
                return 0
            lax.fori_loop(0, cpw, body, 0)
            plsc.subcore_barrier()

            pltpu.sync_copy(acc_sh.at[pl.ds(s * rpt, rpt)], zbuf)
            pltpu.sync_copy(zbuf, accs[kk].at[ci, pl.ds(s * rpt, rpt)])
            if kk + 1 < KF:
                lax.fori_loop(0, rpt, zero_body, 0)

    return k(*ytabs, row2, col2)


def _pre_kernel(x, w_gcn, dega, degb, blk):
    n, d = x.shape
    n_hist = dega.shape[0]
    grid = (n + blk - 1) // blk

    def body(x_ref, w_ref, da_ref, db_ref, y_ref):
        i = pl.program_id(0)
        deg = da_ref[pl.ds(i * blk, blk)] + db_ref[pl.ds(i * blk, blk)] + 1.0
        dinv = lax.rsqrt(deg)
        xw = jnp.dot(x_ref[...], w_ref[...],
                     preferred_element_type=jnp.float32)
        y_ref[...] = xw * dinv[:, None]

    return pl.pallas_call(
        body,
        grid=(grid,),
        in_specs=[
            pl.BlockSpec((blk, d), lambda i: (i, 0)),
            pl.BlockSpec((d, d), lambda i: (0, 0)),
            pl.BlockSpec((n_hist,), lambda i: (0,)),
            pl.BlockSpec((n_hist,), lambda i: (0,)),
        ],
        out_specs=pl.BlockSpec((blk, d), lambda i: (i, 0)),
        out_shape=jax.ShapeDtypeStruct((n, d), jnp.float32),
    )(x, w_gcn, dega, degb)


def _final_kernel(accs, y4, dega, degb, w_proj, bg4, s14, t14, s2f, tb2f,
                  blk):
    n = y4.shape[1]
    d = KF * DS
    n_hist = dega.shape[0]
    grid = (n + blk - 1) // blk

    def body(a0, a1, a2, a3, y_ref, da_ref, db_ref, w_ref,
             bg_ref, s1_ref, t1_ref, s2_ref, tb2_ref, h_ref, p_ref):
        i = pl.program_id(0)
        deg = da_ref[pl.ds(i * blk, blk)] + db_ref[pl.ds(i * blk, blk)] + 1.0
        dinv = lax.rsqrt(deg)[:, None]
        acc_refs = [a0, a1, a2, a3]
        z = jnp.zeros((blk, d), jnp.float32)
        for kk in range(KF):
            acc = acc_refs[kk][0] + acc_refs[kk][1] + y_ref[kk]
            b_gcn = bg_ref[kk, 0, :][None, :]
            s1 = s1_ref[kk, 0, :][None, :]
            t1 = t1_ref[kk, 0, :][None, :]
            h_k = (acc * dinv + b_gcn) * s1 + t1
            h_ref[kk] = h_k
            z = z + jnp.dot(h_k, w_ref[pl.ds(kk * DS, DS), :],
                            preferred_element_type=jnp.float32)
        p_ref[...] = jnp.maximum(z * s2_ref[0, :][None, :]
                                 + tb2_ref[0, :][None, :], 0.0)

    vec4 = pl.BlockSpec((KF, 1, DS), lambda i: (0, 0, 0))
    vecd = pl.BlockSpec((1, d), lambda i: (0, 0))
    return pl.pallas_call(
        body,
        grid=(grid,),
        in_specs=(
            [pl.BlockSpec((NC, blk, DS), lambda i: (0, i, 0))
             for _ in range(KF)]
            + [
                pl.BlockSpec((KF, blk, DS), lambda i: (0, i, 0)),
                pl.BlockSpec((n_hist,), lambda i: (0,)),
                pl.BlockSpec((n_hist,), lambda i: (0,)),
                pl.BlockSpec((d, d), lambda i: (0, 0)),
                vec4, vec4, vec4, vecd, vecd,
            ]
        ),
        out_specs=[
            pl.BlockSpec((KF, blk, DS), lambda i: (0, i, 0)),
            pl.BlockSpec((blk, d), lambda i: (i, 0)),
        ],
        out_shape=[
            jax.ShapeDtypeStruct((KF, n, DS), jnp.float32),
            jax.ShapeDtypeStruct((n, d), jnp.float32),
        ],
    )(*accs, y4, dega, degb, w_proj, bg4, s14, t14, s2f, tb2f)


def kernel(x, edge_index, W_gcn, b_gcn, bn1_gamma, bn1_beta, bn1_mean,
           bn1_var, W_proj, b_proj, bn2_gamma, bn2_beta, bn2_mean, bn2_var):
    n, d = x.shape
    e = edge_index.shape[1]
    eps = 1e-5

    cpw = -(-e // (CH * NW))
    e_pad = cpw * CH * NW
    n_hist = -(-(n + 16) // (NS * LN)) * (NS * LN)
    pad = e_pad - e

    row = edge_index[0]
    col = edge_index[1]
    if pad:
        row = jnp.concatenate([row, jnp.zeros((pad,), jnp.int32)])
        trash = n + (jnp.arange(pad, dtype=jnp.int32) % jnp.int32(CH))
        col = jnp.concatenate([col, trash])
    row2 = row.reshape(NW * cpw, CH)
    col2 = col.reshape(NW * cpw, CH)

    s1 = bn1_gamma * lax.rsqrt(bn1_var + eps)
    t1 = bn1_beta - bn1_mean * s1
    s2 = bn2_gamma * lax.rsqrt(bn2_var + eps)
    tb2 = (bn2_beta - bn2_mean * s2) + b_proj * s2
    bg4 = b_gcn.reshape(KF, 1, DS)
    s14 = s1.reshape(KF, 1, DS)
    t14 = t1.reshape(KF, 1, DS)
    s2f = s2.reshape(1, d)
    tb2f = tb2.reshape(1, d)

    deg_parts = _degree_kernel(col2, n_hist, cpw)
    dega, degb = deg_parts[0], deg_parts[1]
    y = _pre_kernel(x, W_gcn, dega, degb, 512)
    y4 = y.reshape(n, KF, DS).transpose(1, 0, 2)
    ytabs = [y4[kk] for kk in range(KF)]
    accs = _edge_kernel(ytabs, row2, col2, n_hist, cpw)
    h4, p = _final_kernel(accs, y4, dega, degb, W_proj, bg4, s14, t14,
                          s2f, tb2f, 512)
    h = h4.transpose(1, 0, 2).reshape(n, d)
    return (h, p)

# --- scband reference (transcript-rebuilt; emitter-appended) ---
"""Pipeline reference for scband-encoder-47571057771098 (READ-ONLY COPY).

The authoritative reference and input builder live on the scoring server;
editing this copy changes nothing except your own understanding.
"""

import jax, jax.numpy as jnp
import numpy as np

N = 10000
E = 320000
D = 128

def setup_inputs(seed: int = 0) -> dict:
    key = jax.random.key(seed)
    ks = jax.random.split(key, 8)
    x = jax.random.normal(ks[0], (N, D), dtype=jnp.float32)
    edge_index = jax.random.randint(ks[1], (2, E), 0, N, dtype=jnp.int32)
    scale = 1.0 / np.sqrt(D)
    W_gcn = jax.random.normal(ks[2], (D, D), dtype=jnp.float32) * scale
    b_gcn = jnp.zeros((D,), dtype=jnp.float32)
    bn1_gamma = jnp.ones((D,), dtype=jnp.float32)
    bn1_beta = jnp.zeros((D,), dtype=jnp.float32)
    bn1_mean = jnp.zeros((D,), dtype=jnp.float32)
    bn1_var = jnp.ones((D,), dtype=jnp.float32)
    W_proj = jax.random.normal(ks[3], (D, D), dtype=jnp.float32) * scale
    b_proj = jnp.zeros((D,), dtype=jnp.float32)
    bn2_gamma = jnp.ones((D,), dtype=jnp.float32)
    bn2_beta = jnp.zeros((D,), dtype=jnp.float32)
    bn2_mean = jnp.zeros((D,), dtype=jnp.float32)
    bn2_var = jnp.ones((D,), dtype=jnp.float32)
    return {"x": x, "edge_index": edge_index, "W_gcn": W_gcn, "b_gcn": b_gcn,
            "bn1_gamma": bn1_gamma, "bn1_beta": bn1_beta, "bn1_mean": bn1_mean, "bn1_var": bn1_var,
            "W_proj": W_proj, "b_proj": b_proj,
            "bn2_gamma": bn2_gamma, "bn2_beta": bn2_beta, "bn2_mean": bn2_mean, "bn2_var": bn2_var}

def _gcn_conv(x, edge_index, W, b, n_nodes):
    # PyG GCNConv: linear transform, add self-loops, symmetric normalization, scatter-add, bias
    row = edge_index[0]
    col = edge_index[1]
    loop = jnp.arange(n_nodes, dtype=row.dtype)
    row = jnp.concatenate([row, loop])
    col = jnp.concatenate([col, loop])
    ew = jnp.ones(row.shape[0], dtype=x.dtype)
    deg = jnp.zeros((n_nodes,), dtype=x.dtype).at[col].add(ew)
    deg_inv_sqrt = jnp.where(deg > 0, deg ** -0.5, 0.0)
    norm = deg_inv_sqrt[row] * deg_inv_sqrt[col]
    xw = x @ W
    msg = jnp.take(xw, row, axis=0) * norm[:, None]
    out = jnp.zeros((n_nodes, W.shape[1]), dtype=x.dtype).at[col].add(msg)
    return out + b

def _bn_eval(x, gamma, beta, mean, var, eps=1e-5):
    return (x - mean) / jnp.sqrt(var + eps) * gamma + beta

def reference(x, edge_index, W_gcn, b_gcn, bn1_gamma, bn1_beta, bn1_mean, bn1_var,
              W_proj, b_proj, bn2_gamma, bn2_beta, bn2_mean, bn2_var):
    n_nodes = x.shape[0]
    h = _gcn_conv(x, edge_index, W_gcn, b_gcn, n_nodes)
    # dropout is identity in eval mode
    h = _bn_eval(h, bn1_gamma, bn1_beta, bn1_mean, bn1_var)
    p = h @ W_proj + b_proj
    p = _bn_eval(p, bn2_gamma, bn2_beta, bn2_mean, bn2_var)
    p = jax.nn.relu(p)
    # final Dropout identity in eval mode
    return (h, p)

if __name__ == "__main__":
    import jax
    _d = setup_inputs()
    print(jax.jit(kernel)(*tuple(_d.values())))

</pallas_src>

<mosaic_0001>
#map = affine_map<(d0, d1) -> (0, 0)>
module attributes {stable_mosaic.version = 14 : i64} {
  func.func @k(%arg0: i32, %arg1: i32, %arg2: memref<2528x128xi32, #tpu.memory_space<hbm>>, %arg3: memref<2x10240xf32, #tpu.memory_space<hbm>>, %arg4: memref<79x128xi32, #tpu.memory_space<vmem>>, %arg5: memref<128xf32, #tpu.memory_space<vmem>>, %arg6: memref<640xf32, #tpu.memory_space<vmem>>, %arg7: memref<10240xf32, #tpu.memory_space<vmem_shared>>) attributes {dimension_semantics = [#tpu.dimension_semantics<core_parallel>, #tpu.dimension_semantics<subcore_parallel>], iteration_bounds = array<i64: 2, 16>, scalar_prefetch = 0 : i64, scratch_operands = 4 : i64, tpu.core_type = #tpu.core_type<sc_vector_subcore>, window_params = [{transform_indices = #map}, {transform_indices = #map}]} {
    %mul3A = arith.constant 2 : i32
    %mul3A_0 = arith.muli %arg1, %mul3A : i32
    %add3A = arith.addi %mul3A_0, %arg0 : i32
    %broadcast_in_dim3A = arith.constant 1.000000e+00 : f32
    %broadcast_in_dim3A_1 = vector.broadcast %broadcast_in_dim3A : f32 to vector<16xf32>
    %swap3A = arith.constant 0 : index
    %swap3A_2 = tpu.vector_load %arg5[%swap3A] {strides = array<i32>} : memref<128xf32, #tpu.memory_space<vmem>>, vector<16xf32>,
    %swap3A_3 = vector.shape_cast %swap3A_2 : vector<16xf32> to vector<16xf32>
    %swap3A_4 = vector.shape_cast %broadcast_in_dim3A_1 : vector<16xf32> to vector<16xf32>
    tpu.vector_store %arg5[%swap3A], %swap3A_4 {strides = array<i32>} : memref<128xf32, #tpu.memory_space<vmem>>, vector<16xf32>,
    %broadcast_in_dim3A_5 = arith.constant 1.000000e+00 : f32
    %broadcast_in_dim3A_6 = vector.broadcast %broadcast_in_dim3A_5 : f32 to vector<16xf32>
    %swap3A_7 = arith.constant 16 : index
    %swap3A_8 = tpu.vector_load %arg5[%swap3A_7] {strides = array<i32>} : memref<128xf32, #tpu.memory_space<vmem>>, vector<16xf32>,
    %swap3A_9 = vector.shape_cast %swap3A_8 : vector<16xf32> to vector<16xf32>
    %swap3A_10 = vector.shape_cast %broadcast_in_dim3A_6 : vector<16xf32> to vector<16xf32>
    tpu.vector_store %arg5[%swap3A_7], %swap3A_10 {strides = array<i32>} : memref<128xf32, #tpu.memory_space<vmem>>, vector<16xf32>,
    %broadcast_in_dim3A_11 = arith.constant 1.000000e+00 : f32
    %broadcast_in_dim3A_12 = vector.broadcast %broadcast_in_dim3A_11 : f32 to vector<16xf32>
    %swap3A_13 = arith.constant 32 : index
    %swap3A_14 = tpu.vector_load %arg5[%swap3A_13] {strides = array<i32>} : memref<128xf32, #tpu.memory_space<vmem>>, vector<16xf32>,
    %swap3A_15 = vector.shape_cast %swap3A_14 : vector<16xf32> to vector<16xf32>
    %swap3A_16 = vector.shape_cast %broadcast_in_dim3A_12 : vector<16xf32> to vector<16xf32>
    tpu.vector_store %arg5[%swap3A_13], %swap3A_16 {strides = array<i32>} : memref<128xf32, #tpu.memory_space<vmem>>, vector<16xf32>,
    %broadcast_in_dim3A_17 = arith.constant 1.000000e+00 : f32
    %broadcast_in_dim3A_18 = vector.broadcast %broadcast_in_dim3A_17 : f32 to vector<16xf32>
    %swap3A_19 = arith.constant 48 : index
    %swap3A_20 = tpu.vector_load %arg5[%swap3A_19] {strides = array<i32>} : memref<128xf32, #tpu.memory_space<vmem>>, vector<16xf32>,
    %swap3A_21 = vector.shape_cast %swap3A_20 : vector<16xf32> to vector<16xf32>
    %swap3A_22 = vector.shape_cast %broadcast_in_dim3A_18 : vector<16xf32> to vector<16xf32>
    tpu.vector_store %arg5[%swap3A_19], %swap3A_22 {strides = array<i32>} : memref<128xf32, #tpu.memory_space<vmem>>, vector<16xf32>,
    %broadcast_in_dim3A_23 = arith.constant 1.000000e+00 : f32
    %broadcast_in_dim3A_24 = vector.broadcast %broadcast_in_dim3A_23 : f32 to vector<16xf32>
    %swap3A_25 = arith.constant 64 : index
    %swap3A_26 = tpu.vector_load %arg5[%swap3A_25] {strides = array<i32>} : memref<128xf32, #tpu.memory_space<vmem>>, vector<16xf32>,
    %swap3A_27 = vector.shape_cast %swap3A_26 : vector<16xf32> to vector<16xf32>
    %swap3A_28 = vector.shape_cast %broadcast_in_dim3A_24 : vector<16xf32> to vector<16xf32>
    tpu.vector_store %arg5[%swap3A_25], %swap3A_28 {strides = array<i32>} : memref<128xf32, #tpu.memory_space<vmem>>, vector<16xf32>,
    %broadcast_in_dim3A_29 = arith.constant 1.000000e+00 : f32
    %broadcast_in_dim3A_30 = vector.broadcast %broadcast_in_dim3A_29 : f32 to vector<16xf32>
    %swap3A_31 = arith.constant 80 : index
    %swap3A_32 = tpu.vector_load %arg5[%swap3A_31] {strides = array<i32>} : memref<128xf32, #tpu.memory_space<vmem>>, vector<16xf32>,
    %swap3A_33 = vector.shape_cast %swap3A_32 : vector<16xf32> to vector<16xf32>
    %swap3A_34 = vector.shape_cast %broadcast_in_dim3A_30 : vector<16xf32> to vector<16xf32>
    tpu.vector_store %arg5[%swap3A_31], %swap3A_34 {strides = array<i32>} : memref<128xf32, #tpu.memory_space<vmem>>, vector<16xf32>,
    %broadcast_in_dim3A_35 = arith.constant 1.000000e+00 : f32
    %broadcast_in_dim3A_36 = vector.broadcast %broadcast_in_dim3A_35 : f32 to vector<16xf32>
    %swap3A_37 = arith.constant 96 : index
    %swap3A_38 = tpu.vector_load %arg5[%swap3A_37] {strides = array<i32>} : memref<128xf32, #tpu.memory_space<vmem>>, vector<16xf32>,
    %swap3A_39 = vector.shape_cast %swap3A_38 : vector<16xf32> to vector<16xf32>
    %swap3A_40 = vector.shape_cast %broadcast_in_dim3A_36 : vector<16xf32> to vector<16xf32>
    tpu.vector_store %arg5[%swap3A_37], %swap3A_40 {strides = array<i32>} : memref<128xf32, #tpu.memory_space<vmem>>, vector<16xf32>,
    %broadcast_in_dim3A_41 = arith.constant 1.000000e+00 : f32
    %broadcast_in_dim3A_42 = vector.broadcast %broadcast_in_dim3A_41 : f32 to vector<16xf32>
    %swap3A_43 = arith.constant 112 : index
    %swap3A_44 = tpu.vector_load %arg5[%swap3A_43] {strides = array<i32>} : memref<128xf32, #tpu.memory_space<vmem>>, vector<16xf32>,
    %swap3A_45 = vector.shape_cast %swap3A_44 : vector<16xf32> to vector<16xf32>
    %swap3A_46 = vector.shape_cast %broadcast_in_dim3A_42 : vector<16xf32> to vector<16xf32>
    tpu.vector_store %arg5[%swap3A_43], %swap3A_46 {strides = array<i32>} : memref<128xf32, #tpu.memory_space<vmem>>, vector<16xf32>,
    %scan3A = arith.constant 0 : i32
    %scan3A_47 = arith.constant 0 : i32
    %scan3A_48 = arith.constant 40 : i32
    %scan3A_49 = arith.addi %scan3A_47, %scan3A_48 : i32
    %scan3A_50 = arith.constant 1 : i32
    %scan3A_51 = scf.for %scan3A_69 = %scan3A_47 to %scan3A_49 step %scan3A_50 iter_args(%scan3A_70 = %scan3A) -> (i32)  : i32 {
      %broadcast_in_dim3A_71 = arith.constant 0.000000e+00 : f32
      %broadcast_in_dim3A_72 = vector.broadcast %broadcast_in_dim3A_71 : f32 to vector<16xf32>
      %mul3A_73 = arith.constant 16 : i32
      %mul3A_74 = arith.muli %scan3A_69, %mul3A_73 : i32
      %swap3A_75 = arith.index_cast %mul3A_74 : i32 to index
      %swap3A_76 = tpu.vector_load %arg6[%swap3A_75] {strides = array<i32>} : memref<640xf32, #tpu.memory_space<vmem>>, vector<16xf32>,
      %swap3A_77 = vector.shape_cast %swap3A_76 : vector<16xf32> to vector<16xf32>
      %swap3A_78 = vector.shape_cast %broadcast_in_dim3A_72 : vector<16xf32> to vector<16xf32>
      tpu.vector_store %arg6[%swap3A_75], %swap3A_78 {strides = array<i32>} : memref<640xf32, #tpu.memory_space<vmem>>, vector<16xf32>,
      %scan3A_79 = arith.constant 0 : i32
      scf.yield %scan3A_79 : i32
    }
    %scan3A_52 = arith.constant 40 : i32
    %mul3A_53 = arith.constant 640 : i32
    %mul3A_54 = arith.muli %arg1, %mul3A_53 : i32
    "tpu.region"() ({
      %run_scoped3A = tpu.sem_alloc : memref<!tpu.dma_semaphore, #tpu.memory_space<semaphore_mem>>
      %dma_start3A = tpu.memref_slice %arg7[%mul3A_54] : memref<10240xf32, #tpu.memory_space<vmem_shared>> -> memref<640xf32, #tpu.memory_space<vmem_shared>>
      %dma_start3A_69 = tpu.memref_slice %arg7[%mul3A_54] : memref<10240xf32, #tpu.memory_space<vmem_shared>> -> memref<640xf32, #tpu.memory_space<vmem_shared>>
      tpu.enqueue_dma source(%arg6 : memref<640xf32, #tpu.memory_space<vmem>>) target(%dma_start3A_69 : memref<640xf32, #tpu.memory_space<vmem_shared>>) target_semaphore(%run_scoped3A : memref<!tpu.dma_semaphore, #tpu.memory_space<semaphore_mem>>)
      %dma_wait3A = tpu.memref_slice %arg7[%mul3A_54] : memref<10240xf32, #tpu.memory_space<vmem_shared>> -> memref<640xf32, #tpu.memory_space<vmem_shared>>
      %dma_wait3A_70 = tpu.memref_slice %arg7[%mul3A_54] : memref<10240xf32, #tpu.memory_space<vmem_shared>> -> memref<640xf32, #tpu.memory_space<vmem_shared>>
      tpu.wait_dma2 semaphore(%run_scoped3A : memref<!tpu.dma_semaphore, #tpu.memory_space<semaphore_mem>>) src(%arg6 : memref<640xf32, #tpu.memory_space<vmem>>) dst(%dma_wait3A_70 : memref<640xf32, #tpu.memory_space<vmem_shared>>)
      tpu.yield
    }) : () -> ()
    %mul3A_55 = arith.constant 79 : i32
    %mul3A_56 = arith.muli %add3A, %mul3A_55 : i32
    "tpu.region"() ({
      %run_scoped3A = tpu.sem_alloc : memref<!tpu.dma_semaphore, #tpu.memory_space<semaphore_mem>>
      %dma_start3A = arith.constant 0 : i32
      %dma_start3A_69 = tpu.memref_slice %arg2[%mul3A_56, %dma_start3A] : memref<2528x128xi32, #tpu.memory_space<hbm>> -> memref<79x128xi32, #tpu.memory_space<hbm>>
      %dma_start3A_70 = arith.constant 0 : i32
      %dma_start3A_71 = tpu.memref_slice %arg2[%mul3A_56, %dma_start3A_70] : memref<2528x128xi32, #tpu.memory_space<hbm>> -> memref<79x128xi32, #tpu.memory_space<hbm>>
      tpu.enqueue_dma source(%dma_start3A_71 : memref<79x128xi32, #tpu.memory_space<hbm>>) target(%arg4 : memref<79x128xi32, #tpu.memory_space<vmem>>) target_semaphore(%run_scoped3A : memref<!tpu.dma_semaphore, #tpu.memory_space<semaphore_mem>>)
      %dma_wait3A = arith.constant 0 : i32
      %dma_wait3A_72 = tpu.memref_slice %arg2[%mul3A_56, %dma_wait3A] : memref<2528x128xi32, #tpu.memory_space<hbm>> -> memref<79x128xi32, #tpu.memory_space<hbm>>
      %dma_wait3A_73 = arith.constant 0 : i32
      %dma_wait3A_74 = tpu.memref_slice %arg2[%mul3A_56, %dma_wait3A_73] : memref<2528x128xi32, #tpu.memory_space<hbm>> -> memref<79x128xi32, #tpu.memory_space<hbm>>
      tpu.wait_dma2 semaphore(%run_scoped3A : memref<!tpu.dma_semaphore, #tpu.memory_space<semaphore_mem>>) src(%dma_wait3A_74 : memref<79x128xi32, #tpu.memory_space<hbm>>) dst(%arg4 : memref<79x128xi32, #tpu.memory_space<vmem>>)
      tpu.yield
    }) : () -> ()
    %barrier3A = arith.constant 0 : index
    tpu.barrier barrier_id(%barrier3A)
    %scan3A_57 = arith.constant 0 : i32
    %scan3A_58 = arith.constant 0 : i32
    %scan3A_59 = arith.constant 79 : i32
    %scan3A_60 = arith.addi %scan3A_58, %scan3A_59 : i32
    %scan3A_61 = arith.constant 1 : i32
    %scan3A_62 = scf.for %scan3A_69 = %scan3A_58 to %scan3A_60 step %scan3A_61 iter_args(%scan3A_70 = %scan3A_57) -> (i32)  : i32 {
      "tpu.region"() ({
        %run_scoped3A = tpu.sem_alloc : memref<!tpu.dma_semaphore, #tpu.memory_space<semaphore_mem>>
        %dma_start3A = arith.constant 0 : i32
        %dma_start3A_72 = tpu.memref_slice %arg4[%scan3A_69, %dma_start3A] : memref<79x128xi32, #tpu.memory_space<vmem>> -> memref<1x128xi32, #tpu.memory_space<vmem>>
        %dma_start3A_73 = tpu.memref_squeeze %dma_start3A_72 : memref<1x128xi32, #tpu.memory_space<vmem>> -> memref<128xi32, #tpu.memory_space<vmem>>
        %dma_start3A_74 = arith.constant 0 : i32
        %dma_start3A_75 = tpu.memref_slice %arg7[%dma_start3A_74] : memref<10240xf32, #tpu.memory_space<vmem_shared>> -> memref<10240xf32, #tpu.memory_space<vmem_shared>>
        tpu.enqueue_indirect_dma source(%arg5 : memref<128xf32, #tpu.memory_space<vmem>>) target(%dma_start3A_75 : memref<10240xf32, #tpu.memory_space<vmem_shared>>) offsets(%dma_start3A_73 : memref<128xi32, #tpu.memory_space<vmem>>) semaphore(%run_scoped3A : memref<!tpu.dma_semaphore, #tpu.memory_space<semaphore_mem>>) {add = true}
        %dma_wait3A = arith.constant 0 : i32
        %dma_wait3A_76 = tpu.memref_slice %arg4[%scan3A_69, %dma_wait3A] : memref<79x128xi32, #tpu.memory_space<vmem>> -> memref<1x128xi32, #tpu.memory_space<vmem>>
        %dma_wait3A_77 = tpu.memref_squeeze %dma_wait3A_76 : memref<1x128xi32, #tpu.memory_space<vmem>> -> memref<128xi32, #tpu.memory_space<vmem>>
        %dma_wait3A_78 = arith.constant 0 : i32
        %dma_wait3A_79 = tpu.memref_slice %arg7[%dma_wait3A_78] : memref<10240xf32, #tpu.memory_space<vmem_shared>> -> memref<10240xf32, #tpu.memory_space<vmem_shared>>
        tpu.wait_indirect_dma semaphore(%run_scoped3A : memref<!tpu.dma_semaphore, #tpu.memory_space<semaphore_mem>>) src(%arg5 : memref<128xf32, #tpu.memory_space<vmem>>) dst(%dma_wait3A_79 : memref<10240xf32, #tpu.memory_space<vmem_shared>>)
        tpu.yield
      }) : () -> ()
      %scan3A_71 = arith.constant 0 : i32
      scf.yield %scan3A_71 : i32
    }
    %scan3A_63 = arith.constant 79 : i32
    %barrier3A_64 = arith.constant 0 : index
    tpu.barrier barrier_id(%barrier3A_64)
    %mul3A_65 = arith.constant 640 : i32
    %mul3A_66 = arith.muli %arg1, %mul3A_65 : i32
    "tpu.region"() ({
      %run_scoped3A = tpu.sem_alloc : memref<!tpu.dma_semaphore, #tpu.memory_space<semaphore_mem>>
      %dma_start3A = tpu.memref_slice %arg7[%mul3A_66] : memref<10240xf32, #tpu.memory_space<vmem_shared>> -> memref<640xf32, #tpu.memory_space<vmem_shared>>
      %dma_start3A_69 = tpu.memref_slice %arg7[%mul3A_66] : memref<10240xf32, #tpu.memory_space<vmem_shared>> -> memref<640xf32, #tpu.memory_space<vmem_shared>>
      tpu.enqueue_dma source(%dma_start3A_69 : memref<640xf32, #tpu.memory_space<vmem_shared>>) target(%arg6 : memref<640xf32, #tpu.memory_space<vmem>>) target_semaphore(%run_scoped3A : memref<!tpu.dma_semaphore, #tpu.memory_space<semaphore_mem>>)
      %dma_wait3A = tpu.memref_slice %arg7[%mul3A_66] : memref<10240xf32, #tpu.memory_space<vmem_shared>> -> memref<640xf32, #tpu.memory_space<vmem_shared>>
      %dma_wait3A_70 = tpu.memref_slice %arg7[%mul3A_66] : memref<10240xf32, #tpu.memory_space<vmem_shared>> -> memref<640xf32, #tpu.memory_space<vmem_shared>>
      tpu.wait_dma2 semaphore(%run_scoped3A : memref<!tpu.dma_semaphore, #tpu.memory_space<semaphore_mem>>) src(%dma_wait3A_70 : memref<640xf32, #tpu.memory_space<vmem_shared>>) dst(%arg6 : memref<640xf32, #tpu.memory_space<vmem>>)
      tpu.yield
    }) : () -> ()
    %mul3A_67 = arith.constant 640 : i32
    %mul3A_68 = arith.muli %arg1, %mul3A_67 : i32
    "tpu.region"() ({
      %run_scoped3A = tpu.sem_alloc : memref<!tpu.dma_semaphore, #tpu.memory_space<semaphore_mem>>
      %dma_start3A = tpu.memref_slice %arg3[%arg0, %mul3A_68] : memref<2x10240xf32, #tpu.memory_space<hbm>> -> memref<1x640xf32, #tpu.memory_space<hbm>>
      %dma_start3A_69 = tpu.memref_squeeze %dma_start3A : memref<1x640xf32, #tpu.memory_space<hbm>> -> memref<640xf32, #tpu.memory_space<hbm>>
      %dma_start3A_70 = tpu.memref_slice %arg3[%arg0, %mul3A_68] : memref<2x10240xf32, #tpu.memory_space<hbm>> -> memref<1x640xf32, #tpu.memory_space<hbm>>
      %dma_start3A_71 = tpu.memref_squeeze %dma_start3A_70 : memref<1x640xf32, #tpu.memory_space<hbm>> -> memref<640xf32, #tpu.memory_space<hbm>>
      tpu.enqueue_dma source(%arg6 : memref<640xf32, #tpu.memory_space<vmem>>) target(%dma_start3A_71 : memref<640xf32, #tpu.memory_space<hbm>>) target_semaphore(%run_scoped3A : memref<!tpu.dma_semaphore, #tpu.memory_space<semaphore_mem>>)
      %dma_wait3A = tpu.memref_slice %arg3[%arg0, %mul3A_68] : memref<2x10240xf32, #tpu.memory_space<hbm>> -> memref<1x640xf32, #tpu.memory_space<hbm>>
      %dma_wait3A_72 = tpu.memref_squeeze %dma_wait3A : memref<1x640xf32, #tpu.memory_space<hbm>> -> memref<640xf32, #tpu.memory_space<hbm>>
      %dma_wait3A_73 = tpu.memref_slice %arg3[%arg0, %mul3A_68] : memref<2x10240xf32, #tpu.memory_space<hbm>> -> memref<1x640xf32, #tpu.memory_space<hbm>>
      %dma_wait3A_74 = tpu.memref_squeeze %dma_wait3A_73 : memref<1x640xf32, #tpu.memory_space<hbm>> -> memref<640xf32, #tpu.memory_space<hbm>>
      tpu.wait_dma2 semaphore(%run_scoped3A : memref<!tpu.dma_semaphore, #tpu.memory_space<semaphore_mem>>) src(%arg6 : memref<640xf32, #tpu.memory_space<vmem>>) dst(%dma_wait3A_74 : memref<640xf32, #tpu.memory_space<hbm>>)
      tpu.yield
    }) : () -> ()
    return
  }
}

#map = affine_map<(d0, d1) -> (0, 0)>
#map1 = affine_map<(d0, d1) -> (0, 0, 0)>
module attributes {stable_mosaic.version = 14 : i64} {
  func.func @k(%arg0: i32, %arg1: i32, %arg2: memref<10000x32xf32, #tpu.memory_space<hbm>>, %arg3: memref<10000x32xf32, #tpu.memory_space<hbm>>, %arg4: memref<10000x32xf32, #tpu.memory_space<hbm>>, %arg5: memref<10000x32xf32, #tpu.memory_space<hbm>>, %arg6: memref<2528x128xi32, #tpu.memory_space<hbm>>, %arg7: memref<2528x128xi32, #tpu.memory_space<hbm>>, %arg8: memref<2x10240x32xf32, #tpu.memory_space<hbm>>, %arg9: memref<2x10240x32xf32, #tpu.memory_space<hbm>>, %arg10: memref<2x10240x32xf32, #tpu.memory_space<hbm>>, %arg11: memref<2x10240x32xf32, #tpu.memory_space<hbm>>, %arg12: memref<79x128xi32, #tpu.memory_space<vmem>>, %arg13: memref<79x128xi32, #tpu.memory_space<vmem>>, %arg14: memref<128x32xf32, #tpu.memory_space<vmem>>, %arg15: memref<640x32xf32, #tpu.memory_space<vmem>>, %arg16: memref<10240x32xf32, #tpu.memory_space<vmem_shared>>, %arg17: memref<!tpu.dma_semaphore, #tpu.memory_space<semaphore_mem>>) attributes {dimension_semantics = [#tpu.dimension_semantics<core_parallel>, #tpu.dimension_semantics<subcore_parallel>], iteration_bounds = array<i64: 2, 16>, scalar_prefetch = 0 : i64, scratch_operands = 6 : i64, tpu.core_type = #tpu.core_type<sc_vector_subcore>, window_params = [{transform_indices = #map}, {transform_indices = #map}, {transform_indices = #map}, {transform_indices = #map}, {transform_indices = #map}, {transform_indices = #map}, {transform_indices = #map1}, {transform_indices = #map1}, {transform_indices = #map1}, {transform_indices = #map1}]} {
    %mul3A = arith.constant 2 : i32
    %mul3A_0 = arith.muli %arg1, %mul3A : i32
    %add3A = arith.addi %mul3A_0, %arg0 : i32
    %mul3A_1 = arith.constant 79 : i32
    %mul3A_2 = arith.muli %add3A, %mul3A_1 : i32
    "tpu.region"() ({
      %run_scoped3A = tpu.sem_alloc : memref<!tpu.dma_semaphore, #tpu.memory_space<semaphore_mem>>
      %dma_start3A = arith.constant 0 : i32
      %dma_start3A_91 = tpu.memref_slice %arg6[%mul3A_2, %dma_start3A] : memref<2528x128xi32, #tpu.memory_space<hbm>> -> memref<79x128xi32, #tpu.memory_space<hbm>>
      %dma_start3A_92 = arith.constant 0 : i32
      %dma_start3A_93 = tpu.memref_slice %arg6[%mul3A_2, %dma_start3A_92] : memref<2528x128xi32, #tpu.memory_space<hbm>> -> memref<79x128xi32, #tpu.memory_space<hbm>>
      tpu.enqueue_dma source(%dma_start3A_93 : memref<79x128xi32, #tpu.memory_space<hbm>>) target(%arg12 : memref<79x128xi32, #tpu.memory_space<vmem>>) target_semaphore(%run_scoped3A : memref<!tpu.dma_semaphore, #tpu.memory_space<semaphore_mem>>)
      %dma_wait3A = arith.constant 0 : i32
      %dma_wait3A_94 = tpu.memref_slice %arg6[%mul3A_2, %dma_wait3A] : memref<2528x128xi32, #tpu.memory_space<hbm>> -> memref<79x128xi32, #tpu.memory_space<hbm>>
      %dma_wait3A_95 = arith.constant 0 : i32
      %dma_wait3A_96 = tpu.memref_slice %arg6[%mul3A_2, %dma_wait3A_95] : memref<2528x128xi32, #tpu.memory_space<hbm>> -> memref<79x128xi32, #tpu.memory_space<hbm>>
      tpu.wait_dma2 semaphore(%run_scoped3A : memref<!tpu.dma_semaphore, #tpu.memory_space<semaphore_mem>>) src(%dma_wait3A_96 : memref<79x128xi32, #tpu.memory_space<hbm>>) dst(%arg12 : memref<79x128xi32, #tpu.memory_space<vmem>>)
      tpu.yield
    }) : () -> ()
    %mul3A_3 = arith.constant 79 : i32
    %mul3A_4 = arith.muli %add3A, %mul3A_3 : i32
    "tpu.region"() ({
      %run_scoped3A = tpu.sem_alloc : memref<!tpu.dma_semaphore, #tpu.memory_space<semaphore_mem>>
      %dma_start3A = arith.constant 0 : i32
      %dma_start3A_91 = tpu.memref_slice %arg7[%mul3A_4, %dma_start3A] : memref<2528x128xi32, #tpu.memory_space<hbm>> -> memref<79x128xi32, #tpu.memory_space<hbm>>
      %dma_start3A_92 = arith.constant 0 : i32
      %dma_start3A_93 = tpu.memref_slice %arg7[%mul3A_4, %dma_start3A_92] : memref<2528x128xi32, #tpu.memory_space<hbm>> -> memref<79x128xi32, #tpu.memory_space<hbm>>
      tpu.enqueue_dma source(%dma_start3A_93 : memref<79x128xi32, #tpu.memory_space<hbm>>) target(%arg13 : memref<79x128xi32, #tpu.memory_space<vmem>>) target_semaphore(%run_scoped3A : memref<!tpu.dma_semaphore, #tpu.memory_space<semaphore_mem>>)
      %dma_wait3A = arith.constant 0 : i32
      %dma_wait3A_94 = tpu.memref_slice %arg7[%mul3A_4, %dma_wait3A] : memref<2528x128xi32, #tpu.memory_space<hbm>> -> memref<79x128xi32, #tpu.memory_space<hbm>>
      %dma_wait3A_95 = arith.constant 0 : i32
      %dma_wait3A_96 = tpu.memref_slice %arg7[%mul3A_4, %dma_wait3A_95] : memref<2528x128xi32, #tpu.memory_space<hbm>> -> memref<79x128xi32, #tpu.memory_space<hbm>>
      tpu.wait_dma2 semaphore(%run_scoped3A : memref<!tpu.dma_semaphore, #tpu.memory_space<semaphore_mem>>) src(%dma_wait3A_96 : memref<79x128xi32, #tpu.memory_space<hbm>>) dst(%arg13 : memref<79x128xi32, #tpu.memory_space<vmem>>)
      tpu.yield
    }) : () -> ()
    %scan3A = arith.constant 0 : i32
    %scan3A_5 = arith.constant 0 : i32
    %scan3A_6 = arith.constant 640 : i32
    %scan3A_7 = arith.addi %scan3A_5, %scan3A_6 : i32
    %scan3A_8 = arith.constant 1 : i32
    %scan3A_9 = scf.for %scan3A_91 = %scan3A_5 to %scan3A_7 step %scan3A_8 iter_args(%scan3A_92 = %scan3A) -> (i32)  : i32 {
      %broadcast_in_dim3A = arith.constant 0.000000e+00 : f32
      %broadcast_in_dim3A_93 = vector.broadcast %broadcast_in_dim3A : f32 to vector<16xf32>
      %swap3A = arith.index_cast %scan3A_91 : i32 to index
      %swap3A_94 = arith.constant 0 : index
      %swap3A_95 = tpu.vector_load %arg15[%swap3A, %swap3A_94] {strides = array<i32>} : memref<640x32xf32, #tpu.memory_space<vmem>>, vector<1x16xf32>,
      %swap3A_96 = vector.shape_cast %swap3A_95 : vector<1x16xf32> to vector<16xf32>
      %swap3A_97 = vector.shape_cast %broadcast_in_dim3A_93 : vector<16xf32> to vector<1x16xf32>
      tpu.vector_store %arg15[%swap3A, %swap3A_94], %swap3A_97 {strides = array<i32>} : memref<640x32xf32, #tpu.memory_space<vmem>>, vector<1x16xf32>,
      %broadcast_in_dim3A_98 = arith.constant 0.000000e+00 : f32
      %broadcast_in_dim3A_99 = vector.broadcast %broadcast_in_dim3A_98 : f32 to vector<16xf32>
      %swap3A_100 = arith.index_cast %scan3A_91 : i32 to index
      %swap3A_101 = arith.constant 16 : index
      %swap3A_102 = tpu.vector_load %arg15[%swap3A_100, %swap3A_101] {strides = array<i32>} : memref<640x32xf32, #tpu.memory_space<vmem>>, vector<1x16xf32>,
      %swap3A_103 = vector.shape_cast %swap3A_102 : vector<1x16xf32> to vector<16xf32>
      %swap3A_104 = vector.shape_cast %broadcast_in_dim3A_99 : vector<16xf32> to vector<1x16xf32>
      tpu.vector_store %arg15[%swap3A_100, %swap3A_101], %swap3A_104 {strides = array<i32>} : memref<640x32xf32, #tpu.memory_space<vmem>>, vector<1x16xf32>,
      %scan3A_105 = arith.constant 0 : i32
      scf.yield %scan3A_105 : i32
    }
    %scan3A_10 = arith.constant 640 : i32
    %mul3A_11 = arith.constant 640 : i32
    %mul3A_12 = arith.muli %arg1, %mul3A_11 : i32
    "tpu.region"() ({
      %run_scoped3A = tpu.sem_alloc : memref<!tpu.dma_semaphore, #tpu.memory_space<semaphore_mem>>
      %dma_start3A = arith.constant 0 : i32
      %dma_start3A_91 = tpu.memref_slice %arg16[%mul3A_12, %dma_start3A] : memref<10240x32xf32, #tpu.memory_space<vmem_shared>> -> memref<640x32xf32, #tpu.memory_space<vmem_shared>>
      %dma_start3A_92 = arith.constant 0 : i32
      %dma_start3A_93 = tpu.memref_slice %arg16[%mul3A_12, %dma_start3A_92] : memref<10240x32xf32, #tpu.memory_space<vmem_shared>> -> memref<640x32xf32, #tpu.memory_space<vmem_shared>>
      tpu.enqueue_dma source(%arg15 : memref<640x32xf32, #tpu.memory_space<vmem>>) target(%dma_start3A_93 : memref<640x32xf32, #tpu.memory_space<vmem_shared>>) target_semaphore(%run_scoped3A : memref<!tpu.dma_semaphore, #tpu.memory_space<semaphore_mem>>)
      %dma_wait3A = arith.constant 0 : i32
      %dma_wait3A_94 = tpu.memref_slice %arg16[%mul3A_12, %dma_wait3A] : memref<10240x32xf32, #tpu.memory_space<vmem_shared>> -> memref<640x32xf32, #tpu.memory_space<vmem_shared>>
      %dma_wait3A_95 = arith.constant 0 : i32
      %dma_wait3A_96 = tpu.memref_slice %arg16[%mul3A_12, %dma_wait3A_95] : memref<10240x32xf32, #tpu.memory_space<vmem_shared>> -> memref<640x32xf32, #tpu.memory_space<vmem_shared>>
      tpu.wait_dma2 semaphore(%run_scoped3A : memref<!tpu.dma_semaphore, #tpu.memory_space<semaphore_mem>>) src(%arg15 : memref<640x32xf32, #tpu.memory_space<vmem>>) dst(%dma_wait3A_96 : memref<640x32xf32, #tpu.memory_space<vmem_shared>>)
      tpu.yield
    }) : () -> ()
    %barrier3A = arith.constant 0 : index
    tpu.barrier barrier_id(%barrier3A)
    %scan3A_13 = arith.constant 0 : i32
    %scan3A_14 = arith.constant 0 : i32
    %scan3A_15 = arith.constant 79 : i32
    %scan3A_16 = arith.addi %scan3A_14, %scan3A_15 : i32
    %scan3A_17 = arith.constant 1 : i32
    %scan3A_18 = scf.for %scan3A_91 = %scan3A_14 to %scan3A_16 step %scan3A_17 iter_args(%scan3A_92 = %scan3A_13) -> (i32)  : i32 {
      %dma_start3A = arith.constant 0 : i32
      %dma_start3A_93 = tpu.memref_slice %arg12[%scan3A_91, %dma_start3A] : memref<79x128xi32, #tpu.memory_space<vmem>> -> memref<1x128xi32, #tpu.memory_space<vmem>>
      %dma_start3A_94 = tpu.memref_squeeze %dma_start3A_93 : memref<1x128xi32, #tpu.memory_space<vmem>> -> memref<128xi32, #tpu.memory_space<vmem>>
      %dma_start3A_95 = arith.constant 0 : i32
      %dma_start3A_96 = arith.constant 0 : i32
      %dma_start3A_97 = tpu.memref_slice %arg2[%dma_start3A_95, %dma_start3A_96] : memref<10000x32xf32, #tpu.memory_space<hbm>> -> memref<10000x32xf32, #tpu.memory_space<hbm>>
      tpu.enqueue_indirect_dma source(%dma_start3A_97 : memref<10000x32xf32, #tpu.memory_space<hbm>>) target(%arg14 : memref<128x32xf32, #tpu.memory_space<vmem>>) offsets(%dma_start3A_94 : memref<128xi32, #tpu.memory_space<vmem>>) semaphore(%arg17 : memref<!tpu.dma_semaphore, #tpu.memory_space<semaphore_mem>>)
      %dma_wait3A = arith.constant 0 : i32
      %dma_wait3A_98 = tpu.memref_slice %arg12[%scan3A_91, %dma_wait3A] : memref<79x128xi32, #tpu.memory_space<vmem>> -> memref<1x128xi32, #tpu.memory_space<vmem>>
      %dma_wait3A_99 = tpu.memref_squeeze %dma_wait3A_98 : memref<1x128xi32, #tpu.memory_space<vmem>> -> memref<128xi32, #tpu.memory_space<vmem>>
      %dma_wait3A_100 = arith.constant 0 : i32
      %dma_wait3A_101 = arith.constant 0 : i32
      %dma_wait3A_102 = tpu.memref_slice %arg2[%dma_wait3A_100, %dma_wait3A_101] : memref<10000x32xf32, #tpu.memory_space<hbm>> -> memref<10000x32xf32, #tpu.memory_space<hbm>>
      tpu.wait_indirect_dma semaphore(%arg17 : memref<!tpu.dma_semaphore, #tpu.memory_space<semaphore_mem>>) src(%dma_wait3A_102 : memref<10000x32xf32, #tpu.memory_space<hbm>>) dst(%arg14 : memref<128x32xf32, #tpu.memory_space<vmem>>)
      "tpu.region"() ({
        %run_scoped3A = tpu.sem_alloc : memref<!tpu.dma_semaphore, #tpu.memory_space<semaphore_mem>>
        %dma_start3A_104 = arith.constant 0 : i32
        %dma_start3A_105 = tpu.memref_slice %arg13[%scan3A_91, %dma_start3A_104] : memref<79x128xi32, #tpu.memory_space<vmem>> -> memref<1x128xi32, #tpu.memory_space<vmem>>
        %dma_start3A_106 = tpu.memref_squeeze %dma_start3A_105 : memref<1x128xi32, #tpu.memory_space<vmem>> -> memref<128xi32, #tpu.memory_space<vmem>>
        %dma_start3A_107 = arith.constant 0 : i32
        %dma_start3A_108 = arith.constant 0 : i32
        %dma_start3A_109 = tpu.memref_slice %arg16[%dma_start3A_107, %dma_start3A_108] : memref<10240x32xf32, #tpu.memory_space<vmem_shared>> -> memref<10240x32xf32, #tpu.memory_space<vmem_shared>>
        tpu.enqueue_indirect_dma source(%arg14 : memref<128x32xf32, #tpu.memory_space<vmem>>) target(%dma_start3A_109 : memref<10240x32xf32, #tpu.memory_space<vmem_shared>>) offsets(%dma_start3A_106 : memref<128xi32, #tpu.memory_space<vmem>>) semaphore(%run_scoped3A : memref<!tpu.dma_semaphore, #tpu.memory_space<semaphore_mem>>) {add = true}
        %dma_wait3A_110 = arith.constant 0 : i32
        %dma_wait3A_111 = tpu.memref_slice %arg13[%scan3A_91, %dma_wait3A_110] : memref<79x128xi32, #tpu.memory_space<vmem>> -> memref<1x128xi32, #tpu.memory_space<vmem>>
        %dma_wait3A_112 = tpu.memref_squeeze %dma_wait3A_111 : memref<1x128xi32, #tpu.memory_space<vmem>> -> memref<128xi32, #tpu.memory_space<vmem>>
        %dma_wait3A_113 = arith.constant 0 : i32
        %dma_wait3A_114 = arith.constant 0 : i32
        %dma_wait3A_115 = tpu.memref_slice %arg16[%dma_wait3A_113, %dma_wait3A_114] : memref<10240x32xf32, #tpu.memory_space<vmem_shared>> -> memref<10240x32xf32, #tpu.memory_space<vmem_shared>>
        tpu.wait_indirect_dma semaphore(%run_scoped3A : memref<!tpu.dma_semaphore, #tpu.memory_space<semaphore_mem>>) src(%arg14 : memref<128x32xf32, #tpu.memory_space<vmem>>) dst(%dma_wait3A_115 : memref<10240x32xf32, #tpu.memory_space<vmem_shared>>)
        tpu.yield
      }) : () -> ()
      %scan3A_103 = arith.constant 0 : i32
      scf.yield %scan3A_103 : i32
    }
    %scan3A_19 = arith.constant 79 : i32
    %barrier3A_20 = arith.constant 0 : index
    tpu.barrier barrier_id(%barrier3A_20)
    %mul3A_21 = arith.constant 640 : i32
    %mul3A_22 = arith.muli %arg1, %mul3A_21 : i32
    "tpu.region"() ({
      %run_scoped3A = tpu.sem_alloc : memref<!tpu.dma_semaphore, #tpu.memory_space<semaphore_mem>>
      %dma_start3A = arith.constant 0 : i32
      %dma_start3A_91 = tpu.memref_slice %arg16[%mul3A_22, %dma_start3A] : memref<10240x32xf32, #tpu.memory_space<vmem_shared>> -> memref<640x32xf32, #tpu.memory_space<vmem_shared>>
      %dma_start3A_92 = arith.constant 0 : i32
      %dma_start3A_93 = tpu.memref_slice %arg16[%mul3A_22, %dma_start3A_92] : memref<10240x32xf32, #tpu.memory_space<vmem_shared>> -> memref<640x32xf32, #tpu.memory_space<vmem_shared>>
      tpu.enqueue_dma source(%dma_start3A_93 : memref<640x32xf32, #tpu.memory_space<vmem_shared>>) target(%arg15 : memref<640x32xf32, #tpu.memory_space<vmem>>) target_semaphore(%run_scoped3A : memref<!tpu.dma_semaphore, #tpu.memory_space<semaphore_mem>>)
      %dma_wait3A = arith.constant 0 : i32
      %dma_wait3A_94 = tpu.memref_slice %arg16[%mul3A_22, %dma_wait3A] : memref<10240x32xf32, #tpu.memory_space<vmem_shared>> -> memref<640x32xf32, #tpu.memory_space<vmem_shared>>
      %dma_wait3A_95 = arith.constant 0 : i32
      %dma_wait3A_96 = tpu.memref_slice %arg16[%mul3A_22, %dma_wait3A_95] : memref<10240x32xf32, #tpu.memory_space<vmem_shared>> -> memref<640x32xf32, #tpu.memory_space<vmem_shared>>
      tpu.wait_dma2 semaphore(%run_scoped3A : memref<!tpu.dma_semaphore, #tpu.memory_space<semaphore_mem>>) src(%dma_wait3A_96 : memref<640x32xf32, #tpu.memory_space<vmem_shared>>) dst(%arg15 : memref<640x32xf32, #tpu.memory_space<vmem>>)
      tpu.yield
    }) : () -> ()
    %mul3A_23 = arith.constant 640 : i32
    %mul3A_24 = arith.muli %arg1, %mul3A_23 : i32
    "tpu.region"() ({
      %run_scoped3A = tpu.sem_alloc : memref<!tpu.dma_semaphore, #tpu.memory_space<semaphore_mem>>
      %dma_start3A = arith.constant 0 : i32
      %dma_start3A_91 = tpu.memref_slice %arg8[%arg0, %mul3A_24, %dma_start3A] : memref<2x10240x32xf32, #tpu.memory_space<hbm>> -> memref<1x640x32xf32, #tpu.memory_space<hbm>>
      %dma_start3A_92 = tpu.memref_squeeze %dma_start3A_91 : memref<1x640x32xf32, #tpu.memory_space<hbm>> -> memref<640x32xf32, #tpu.memory_space<hbm>>
      %dma_start3A_93 = arith.constant 0 : i32
      %dma_start3A_94 = tpu.memref_slice %arg8[%arg0, %mul3A_24, %dma_start3A_93] : memref<2x10240x32xf32, #tpu.memory_space<hbm>> -> memref<1x640x32xf32, #tpu.memory_space<hbm>>
      %dma_start3A_95 = tpu.memref_squeeze %dma_start3A_94 : memref<1x640x32xf32, #tpu.memory_space<hbm>> -> memref<640x32xf32, #tpu.memory_space<hbm>>
      tpu.enqueue_dma source(%arg15 : memref<640x32xf32, #tpu.memory_space<vmem>>) target(%dma_start3A_95 : memref<640x32xf32, #tpu.memory_space<hbm>>) target_semaphore(%run_scoped3A : memref<!tpu.dma_semaphore, #tpu.memory_space<semaphore_mem>>)
      %dma_wait3A = arith.constant 0 : i32
      %dma_wait3A_96 = tpu.memref_slice %arg8[%arg0, %mul3A_24, %dma_wait3A] : memref<2x10240x32xf32, #tpu.memory_space<hbm>> -> memref<1x640x32xf32, #tpu.memory_space<hbm>>
      %dma_wait3A_97 = tpu.memref_squeeze %dma_wait3A_96 : memref<1x640x32xf32, #tpu.memory_space<hbm>> -> memref<640x32xf32, #tpu.memory_space<hbm>>
      %dma_wait3A_98 = arith.constant 0 : i32
      %dma_wait3A_99 = tpu.memref_slice %arg8[%arg0, %mul3A_24, %dma_wait3A_98] : memref<2x10240x32xf32, #tpu.memory_space<hbm>> -> memref<1x640x32xf32, #tpu.memory_space<hbm>>
      %dma_wait3A_100 = tpu.memref_squeeze %dma_wait3A_99 : memref<1x640x32xf32, #tpu.memory_space<hbm>> -> memref<640x32xf32, #tpu.memory_space<hbm>>
      tpu.wait_dma2 semaphore(%run_scoped3A : memref<!tpu.dma_semaphore, #tpu.memory_space<semaphore_mem>>) src(%arg15 : memref<640x32xf32, #tpu.memory_space<vmem>>) dst(%dma_wait3A_100 : memref<640x32xf32, #tpu.memory_space<hbm>>)
      tpu.yield
    }) : () -> ()
    %scan3A_25 = arith.constant 0 : i32
    %scan3A_26 = arith.constant 0 : i32
    %scan3A_27 = arith.constant 640 : i32
    %scan3A_28 = arith.addi %scan3A_26, %scan3A_27 : i32
    %scan3A_29 = arith.constant 1 : i32
    %scan3A_30 = scf.for %scan3A_91 = %scan3A_26 to %scan3A_28 step %scan3A_29 iter_args(%scan3A_92 = %scan3A_25) -> (i32)  : i32 {
      %broadcast_in_dim3A = arith.constant 0.000000e+00 : f32
      %broadcast_in_dim3A_93 = vector.broadcast %broadcast_in_dim3A : f32 to vector<16xf32>
      %swap3A = arith.index_cast %scan3A_91 : i32 to index
      %swap3A_94 = arith.constant 0 : index
      %swap3A_95 = tpu.vector_load %arg15[%swap3A, %swap3A_94] {strides = array<i32>} : memref<640x32xf32, #tpu.memory_space<vmem>>, vector<1x16xf32>,
      %swap3A_96 = vector.shape_cast %swap3A_95 : vector<1x16xf32> to vector<16xf32>
      %swap3A_97 = vector.shape_cast %broadcast_in_dim3A_93 : vector<16xf32> to vector<1x16xf32>
      tpu.vector_store %arg15[%swap3A, %swap3A_94], %swap3A_97 {strides = array<i32>} : memref<640x32xf32, #tpu.memory_space<vmem>>, vector<1x16xf32>,
      %broadcast_in_dim3A_98 = arith.constant 0.000000e+00 : f32
      %broadcast_in_dim3A_99 = vector.broadcast %broadcast_in_dim3A_98 : f32 to vector<16xf32>
      %swap3A_100 = arith.index_cast %scan3A_91 : i32 to index
      %swap3A_101 = arith.constant 16 : index
      %swap3A_102 = tpu.vector_load %arg15[%swap3A_100, %swap3A_101] {strides = array<i32>} : memref<640x32xf32, #tpu.memory_space<vmem>>, vector<1x16xf32>,
      %swap3A_103 = vector.shape_cast %swap3A_102 : vector<1x16xf32> to vector<16xf32>
      %swap3A_104 = vector.shape_cast %broadcast_in_dim3A_99 : vector<16xf32> to vector<1x16xf32>
      tpu.vector_store %arg15[%swap3A_100, %swap3A_101], %swap3A_104 {strides = array<i32>} : memref<640x32xf32, #tpu.memory_space<vmem>>, vector<1x16xf32>,
      %scan3A_105 = arith.constant 0 : i32
      scf.yield %scan3A_105 : i32
    }
    %scan3A_31 = arith.constant 640 : i32
    %mul3A_32 = arith.constant 640 : i32
    %mul3A_33 = arith.muli %arg1, %mul3A_32 : i32
    "tpu.region"() ({
      %run_scoped3A = tpu.sem_alloc : memref<!tpu.dma_semaphore, #tpu.memory_space<semaphore_mem>>
      %dma_start3A = arith.constant 0 : i32
      %dma_start3A_91 = tpu.memref_slice %arg16[%mul3A_33, %dma_start3A] : memref<10240x32xf32, #tpu.memory_space<vmem_shared>> -> memref<640x32xf32, #tpu.memory_space<vmem_shared>>
      %dma_start3A_92 = arith.constant 0 : i32
      %dma_start3A_93 = tpu.memref_slice %arg16[%mul3A_33, %dma_start3A_92] : memref<10240x32xf32, #tpu.memory_space<vmem_shared>> -> memref<640x32xf32, #tpu.memory_space<vmem_shared>>
      tpu.enqueue_dma source(%arg15 : memref<640x32xf32, #tpu.memory_space<vmem>>) target(%dma_start3A_93 : memref<640x32xf32, #tpu.memory_space<vmem_shared>>) target_semaphore(%run_scoped3A : memref<!tpu.dma_semaphore, #tpu.memory_space<semaphore_mem>>)
      %dma_wait3A = arith.constant 0 : i32
      %dma_wait3A_94 = tpu.memref_slice %arg16[%mul3A_33, %dma_wait3A] : memref<10240x32xf32, #tpu.memory_space<vmem_shared>> -> memref<640x32xf32, #tpu.memory_space<vmem_shared>>
      %dma_wait3A_95 = arith.constant 0 : i32
      %dma_wait3A_96 = tpu.memref_slice %arg16[%mul3A_33, %dma_wait3A_95] : memref<10240x32xf32, #tpu.memory_space<vmem_shared>> -> memref<640x32xf32, #tpu.memory_space<vmem_shared>>
      tpu.wait_dma2 semaphore(%run_scoped3A : memref<!tpu.dma_semaphore, #tpu.memory_space<semaphore_mem>>) src(%arg15 : memref<640x32xf32, #tpu.memory_space<vmem>>) dst(%dma_wait3A_96 : memref<640x32xf32, #tpu.memory_space<vmem_shared>>)
      tpu.yield
    }) : () -> ()
    %barrier3A_34 = arith.constant 0 : index
    tpu.barrier barrier_id(%barrier3A_34)
    %scan3A_35 = arith.constant 0 : i32
    %scan3A_36 = arith.constant 0 : i32
    %scan3A_37 = arith.constant 79 : i32
    %scan3A_38 = arith.addi %scan3A_36, %scan3A_37 : i32
    %scan3A_39 = arith.constant 1 : i32
    %scan3A_40 = scf.for %scan3A_91 = %scan3A_36 to %scan3A_38 step %scan3A_39 iter_args(%scan3A_92 = %scan3A_35) -> (i32)  : i32 {
      %dma_start3A = arith.constant 0 : i32
      %dma_start3A_93 = tpu.memref_slice %arg12[%scan3A_91, %dma_start3A] : memref<79x128xi32, #tpu.memory_space<vmem>> -> memref<1x128xi32, #tpu.memory_space<vmem>>
      %dma_start3A_94 = tpu.memref_squeeze %dma_start3A_93 : memref<1x128xi32, #tpu.memory_space<vmem>> -> memref<128xi32, #tpu.memory_space<vmem>>
      %dma_start3A_95 = arith.constant 0 : i32
      %dma_start3A_96 = arith.constant 0 : i32
      %dma_start3A_97 = tpu.memref_slice %arg3[%dma_start3A_95, %dma_start3A_96] : memref<10000x32xf32, #tpu.memory_space<hbm>> -> memref<10000x32xf32, #tpu.memory_space<hbm>>
      tpu.enqueue_indirect_dma source(%dma_start3A_97 : memref<10000x32xf32, #tpu.memory_space<hbm>>) target(%arg14 : memref<128x32xf32, #tpu.memory_space<vmem>>) offsets(%dma_start3A_94 : memref<128xi32, #tpu.memory_space<vmem>>) semaphore(%arg17 : memref<!tpu.dma_semaphore, #tpu.memory_space<semaphore_mem>>)
      %dma_wait3A = arith.constant 0 : i32
      %dma_wait3A_98 = tpu.memref_slice %arg12[%scan3A_91, %dma_wait3A] : memref<79x128xi32, #tpu.memory_space<vmem>> -> memref<1x128xi32, #tpu.memory_space<vmem>>
      %dma_wait3A_99 = tpu.memref_squeeze %dma_wait3A_98 : memref<1x128xi32, #tpu.memory_space<vmem>> -> memref<128xi32, #tpu.memory_space<vmem>>
      %dma_wait3A_100 = arith.constant 0 : i32
      %dma_wait3A_101 = arith.constant 0 : i32
      %dma_wait3A_102 = tpu.memref_slice %arg3[%dma_wait3A_100, %dma_wait3A_101] : memref<10000x32xf32, #tpu.memory_space<hbm>> -> memref<10000x32xf32, #tpu.memory_space<hbm>>
      tpu.wait_indirect_dma semaphore(%arg17 : memref<!tpu.dma_semaphore, #tpu.memory_space<semaphore_mem>>) src(%dma_wait3A_102 : memref<10000x32xf32, #tpu.memory_space<hbm>>) dst(%arg14 : memref<128x32xf32, #tpu.memory_space<vmem>>)
      "tpu.region"() ({
        %run_scoped3A = tpu.sem_alloc : memref<!tpu.dma_semaphore, #tpu.memory_space<semaphore_mem>>
        %dma_start3A_104 = arith.constant 0 : i32
        %dma_start3A_105 = tpu.memref_slice %arg13[%scan3A_91, %dma_start3A_104] : memref<79x128xi32, #tpu.memory_space<vmem>> -> memref<1x128xi32, #tpu.memory_space<vmem>>
        %dma_start3A_106 = tpu.memref_squeeze %dma_start3A_105 : memref<1x128xi32, #tpu.memory_space<vmem>> -> memref<128xi32, #tpu.memory_space<vmem>>
        %dma_start3A_107 = arith.constant 0 : i32
        %dma_start3A_108 = arith.constant 0 : i32
        %dma_start3A_109 = tpu.memref_slice %arg16[%dma_start3A_107, %dma_start3A_108] : memref<10240x32xf32, #tpu.memory_space<vmem_shared>> -> memref<10240x32xf32, #tpu.memory_space<vmem_shared>>
        tpu.enqueue_indirect_dma source(%arg14 : memref<128x32xf32, #tpu.memory_space<vmem>>) target(%dma_start3A_109 : memref<10240x32xf32, #tpu.memory_space<vmem_shared>>) offsets(%dma_start3A_106 : memref<128xi32, #tpu.memory_space<vmem>>) semaphore(%run_scoped3A : memref<!tpu.dma_semaphore, #tpu.memory_space<semaphore_mem>>) {add = true}
        %dma_wait3A_110 = arith.constant 0 : i32
        %dma_wait3A_111 = tpu.memref_slice %arg13[%scan3A_91, %dma_wait3A_110] : memref<79x128xi32, #tpu.memory_space<vmem>> -> memref<1x128xi32, #tpu.memory_space<vmem>>
        %dma_wait3A_112 = tpu.memref_squeeze %dma_wait3A_111 : memref<1x128xi32, #tpu.memory_space<vmem>> -> memref<128xi32, #tpu.memory_space<vmem>>
        %dma_wait3A_113 = arith.constant 0 : i32
        %dma_wait3A_114 = arith.constant 0 : i32
        %dma_wait3A_115 = tpu.memref_slice %arg16[%dma_wait3A_113, %dma_wait3A_114] : memref<10240x32xf32, #tpu.memory_space<vmem_shared>> -> memref<10240x32xf32, #tpu.memory_space<vmem_shared>>
        tpu.wait_indirect_dma semaphore(%run_scoped3A : memref<!tpu.dma_semaphore, #tpu.memory_space<semaphore_mem>>) src(%arg14 : memref<128x32xf32, #tpu.memory_space<vmem>>) dst(%dma_wait3A_115 : memref<10240x32xf32, #tpu.memory_space<vmem_shared>>)
        tpu.yield
      }) : () -> ()
      %scan3A_103 = arith.constant 0 : i32
      scf.yield %scan3A_103 : i32
    }
    %scan3A_41 = arith.constant 79 : i32
    %barrier3A_42 = arith.constant 0 : index
    tpu.barrier barrier_id(%barrier3A_42)
    %mul3A_43 = arith.constant 640 : i32
    %mul3A_44 = arith.muli %arg1, %mul3A_43 : i32
    "tpu.region"() ({
      %run_scoped3A = tpu.sem_alloc : memref<!tpu.dma_semaphore, #tpu.memory_space<semaphore_mem>>
      %dma_start3A = arith.constant 0 : i32
      %dma_start3A_91 = tpu.memref_slice %arg16[%mul3A_44, %dma_start3A] : memref<10240x32xf32, #tpu.memory_space<vmem_shared>> -> memref<640x32xf32, #tpu.memory_space<vmem_shared>>
      %dma_start3A_92 = arith.constant 0 : i32
      %dma_start3A_93 = tpu.memref_slice %arg16[%mul3A_44, %dma_start3A_92] : memref<10240x32xf32, #tpu.memory_space<vmem_shared>> -> memref<640x32xf32, #tpu.memory_space<vmem_shared>>
      tpu.enqueue_dma source(%dma_start3A_93 : memref<640x32xf32, #tpu.memory_space<vmem_shared>>) target(%arg15 : memref<640x32xf32, #tpu.memory_space<vmem>>) target_semaphore(%run_scoped3A : memref<!tpu.dma_semaphore, #tpu.memory_space<semaphore_mem>>)
      %dma_wait3A = arith.constant 0 : i32
      %dma_wait3A_94 = tpu.memref_slice %arg16[%mul3A_44, %dma_wait3A] : memref<10240x32xf32, #tpu.memory_space<vmem_shared>> -> memref<640x32xf32, #tpu.memory_space<vmem_shared>>
      %dma_wait3A_95 = arith.constant 0 : i32
      %dma_wait3A_96 = tpu.memref_slice %arg16[%mul3A_44, %dma_wait3A_95] : memref<10240x32xf32, #tpu.memory_space<vmem_shared>> -> memref<640x32xf32, #tpu.memory_space<vmem_shared>>
      tpu.wait_dma2 semaphore(%run_scoped3A : memref<!tpu.dma_semaphore, #tpu.memory_space<semaphore_mem>>) src(%dma_wait3A_96 : memref<640x32xf32, #tpu.memory_space<vmem_shared>>) dst(%arg15 : memref<640x32xf32, #tpu.memory_space<vmem>>)
      tpu.yield
    }) : () -> ()
    %mul3A_45 = arith.constant 640 : i32
    %mul3A_46 = arith.muli %arg1, %mul3A_45 : i32
    "tpu.region"() ({
      %run_scoped3A = tpu.sem_alloc : memref<!tpu.dma_semaphore, #tpu.memory_space<semaphore_mem>>
      %dma_start3A = arith.constant 0 : i32
      %dma_start3A_91 = tpu.memref_slice %arg9[%arg0, %mul3A_46, %dma_start3A] : memref<2x10240x32xf32, #tpu.memory_space<hbm>> -> memref<1x640x32xf32, #tpu.memory_space<hbm>>
      %dma_start3A_92 = tpu.memref_squeeze %dma_start3A_91 : memref<1x640x32xf32, #tpu.memory_space<hbm>> -> memref<640x32xf32, #tpu.memory_space<hbm>>
      %dma_start3A_93 = arith.constant 0 : i32
      %dma_start3A_94 = tpu.memref_slice %arg9[%arg0, %mul3A_46, %dma_start3A_93] : memref<2x10240x32xf32, #tpu.memory_space<hbm>> -> memref<1x640x32xf32, #tpu.memory_space<hbm>>
      %dma_start3A_95 = tpu.memref_squeeze %dma_start3A_94 : memref<1x640x32xf32, #tpu.memory_space<hbm>> -> memref<640x32xf32, #tpu.memory_space<hbm>>
      tpu.enqueue_dma source(%arg15 : memref<640x32xf32, #tpu.memory_space<vmem>>) target(%dma_start3A_95 : memref<640x32xf32, #tpu.memory_space<hbm>>) target_semaphore(%run_scoped3A : memref<!tpu.dma_semaphore, #tpu.memory_space<semaphore_mem>>)
      %dma_wait3A = arith.constant 0 : i32
      %dma_wait3A_96 = tpu.memref_slice %arg9[%arg0, %mul3A_46, %dma_wait3A] : memref<2x10240x32xf32, #tpu.memory_space<hbm>> -> memref<1x640x32xf32, #tpu.memory_space<hbm>>
      %dma_wait3A_97 = tpu.memref_squeeze %dma_wait3A_96 : memref<1x640x32xf32, #tpu.memory_space<hbm>> -> memref<640x32xf32, #tpu.memory_space<hbm>>
      %dma_wait3A_98 = arith.constant 0 : i32
      %dma_wait3A_99 = tpu.memref_slice %arg9[%arg0, %mul3A_46, %dma_wait3A_98] : memref<2x10240x32xf32, #tpu.memory_space<hbm>> -> memref<1x640x32xf32, #tpu.memory_space<hbm>>
      %dma_wait3A_100 = tpu.memref_squeeze %dma_wait3A_99 : memref<1x640x32xf32, #tpu.memory_space<hbm>> -> memref<640x32xf32, #tpu.memory_space<hbm>>
      tpu.wait_dma2 semaphore(%run_scoped3A : memref<!tpu.dma_semaphore, #tpu.memory_space<semaphore_mem>>) src(%arg15 : memref<640x32xf32, #tpu.memory_space<vmem>>) dst(%dma_wait3A_100 : memref<640x32xf32, #tpu.memory_space<hbm>>)
      tpu.yield
    }) : () -> ()
    %scan3A_47 = arith.constant 0 : i32
    %scan3A_48 = arith.constant 0 : i32
    %scan3A_49 = arith.constant 640 : i32
    %scan3A_50 = arith.addi %scan3A_48, %scan3A_49 : i32
    %scan3A_51 = arith.constant 1 : i32
    %scan3A_52 = scf.for %scan3A_91 = %scan3A_48 to %scan3A_50 step %scan3A_51 iter_args(%scan3A_92 = %scan3A_47) -> (i32)  : i32 {
      %broadcast_in_dim3A = arith.constant 0.000000e+00 : f32
      %broadcast_in_dim3A_93 = vector.broadcast %broadcast_in_dim3A : f32 to vector<16xf32>
      %swap3A = arith.index_cast %scan3A_91 : i32 to index
      %swap3A_94 = arith.constant 0 : index
      %swap3A_95 = tpu.vector_load %arg15[%swap3A, %swap3A_94] {strides = array<i32>} : memref<640x32xf32, #tpu.memory_space<vmem>>, vector<1x16xf32>,
      %swap3A_96 = vector.shape_cast %swap3A_95 : vector<1x16xf32> to vector<16xf32>
      %swap3A_97 = vector.shape_cast %broadcast_in_dim3A_93 : vector<16xf32> to vector<1x16xf32>
      tpu.vector_store %arg15[%swap3A, %swap3A_94], %swap3A_97 {strides = array<i32>} : memref<640x32xf32, #tpu.memory_space<vmem>>, vector<1x16xf32>,
      %broadcast_in_dim3A_98 = arith.constant 0.000000e+00 : f32
      %broadcast_in_dim3A_99 = vector.broadcast %broadcast_in_dim3A_98 : f32 to vector<16xf32>
      %swap3A_100 = arith.index_cast %scan3A_91 : i32 to index
      %swap3A_101 = arith.constant 16 : index
      %swap3A_102 = tpu.vector_load %arg15[%swap3A_100, %swap3A_101] {strides = array<i32>} : memref<640x32xf32, #tpu.memory_space<vmem>>, vector<1x16xf32>,
      %swap3A_103 = vector.shape_cast %swap3A_102 : vector<1x16xf32> to vector<16xf32>
      %swap3A_104 = vector.shape_cast %broadcast_in_dim3A_99 : vector<16xf32> to vector<1x16xf32>
      tpu.vector_store %arg15[%swap3A_100, %swap3A_101], %swap3A_104 {strides = array<i32>} : memref<640x32xf32, #tpu.memory_space<vmem>>, vector<1x16xf32>,
      %scan3A_105 = arith.constant 0 : i32
      scf.yield %scan3A_105 : i32
    }
    %scan3A_53 = arith.constant 640 : i32
    %mul3A_54 = arith.constant 640 : i32
    %mul3A_55 = arith.muli %arg1, %mul3A_54 : i32
    "tpu.region"() ({
      %run_scoped3A = tpu.sem_alloc : memref<!tpu.dma_semaphore, #tpu.memory_space<semaphore_mem>>
      %dma_start3A = arith.constant 0 : i32
      %dma_start3A_91 = tpu.memref_slice %arg16[%mul3A_55, %dma_start3A] : memref<10240x32xf32, #tpu.memory_space<vmem_shared>> -> memref<640x32xf32, #tpu.memory_space<vmem_shared>>
      %dma_start3A_92 = arith.constant 0 : i32
      %dma_start3A_93 = tpu.memref_slice %arg16[%mul3A_55, %dma_start3A_92] : memref<10240x32xf32, #tpu.memory_space<vmem_shared>> -> memref<640x32xf32, #tpu.memory_space<vmem_shared>>
      tpu.enqueue_dma source(%arg15 : memref<640x32xf32, #tpu.memory_space<vmem>>) target(%dma_start3A_93 : memref<640x32xf32, #tpu.memory_space<vmem_shared>>) target_semaphore(%run_scoped3A : memref<!tpu.dma_semaphore, #tpu.memory_space<semaphore_mem>>)
      %dma_wait3A = arith.constant 0 : i32
      %dma_wait3A_94 = tpu.memref_slice %arg16[%mul3A_55, %dma_wait3A] : memref<10240x32xf32, #tpu.memory_space<vmem_shared>> -> memref<640x32xf32, #tpu.memory_space<vmem_shared>>
      %dma_wait3A_95 = arith.constant 0 : i32
      %dma_wait3A_96 = tpu.memref_slice %arg16[%mul3A_55, %dma_wait3A_95] : memref<10240x32xf32, #tpu.memory_space<vmem_shared>> -> memref<640x32xf32, #tpu.memory_space<vmem_shared>>
      tpu.wait_dma2 semaphore(%run_scoped3A : memref<!tpu.dma_semaphore, #tpu.memory_space<semaphore_mem>>) src(%arg15 : memref<640x32xf32, #tpu.memory_space<vmem>>) dst(%dma_wait3A_96 : memref<640x32xf32, #tpu.memory_space<vmem_shared>>)
      tpu.yield
    }) : () -> ()
    %barrier3A_56 = arith.constant 0 : index
    tpu.barrier barrier_id(%barrier3A_56)
    %scan3A_57 = arith.constant 0 : i32
    %scan3A_58 = arith.constant 0 : i32
    %scan3A_59 = arith.constant 79 : i32
    %scan3A_60 = arith.addi %scan3A_58, %scan3A_59 : i32
    %scan3A_61 = arith.constant 1 : i32
    %scan3A_62 = scf.for %scan3A_91 = %scan3A_58 to %scan3A_60 step %scan3A_61 iter_args(%scan3A_92 = %scan3A_57) -> (i32)  : i32 {
      %dma_start3A = arith.constant 0 : i32
      %dma_start3A_93 = tpu.memref_slice %arg12[%scan3A_91, %dma_start3A] : memref<79x128xi32, #tpu.memory_space<vmem>> -> memref<1x128xi32, #tpu.memory_space<vmem>>
      %dma_start3A_94 = tpu.memref_squeeze %dma_start3A_93 : memref<1x128xi32, #tpu.memory_space<vmem>> -> memref<128xi32, #tpu.memory_space<vmem>>
      %dma_start3A_95 = arith.constant 0 : i32
      %dma_start3A_96 = arith.constant 0 : i32
      %dma_start3A_97 = tpu.memref_slice %arg4[%dma_start3A_95, %dma_start3A_96] : memref<10000x32xf32, #tpu.memory_space<hbm>> -> memref<10000x32xf32, #tpu.memory_space<hbm>>
      tpu.enqueue_indirect_dma source(%dma_start3A_97 : memref<10000x32xf32, #tpu.memory_space<hbm>>) target(%arg14 : memref<128x32xf32, #tpu.memory_space<vmem>>) offsets(%dma_start3A_94 : memref<128xi32, #tpu.memory_space<vmem>>) semaphore(%arg17 : memref<!tpu.dma_semaphore, #tpu.memory_space<semaphore_mem>>)
      %dma_wait3A = arith.constant 0 : i32
      %dma_wait3A_98 = tpu.memref_slice %arg12[%scan3A_91, %dma_wait3A] : memref<79x128xi32, #tpu.memory_space<vmem>> -> memref<1x128xi32, #tpu.memory_space<vmem>>
      %dma_wait3A_99 = tpu.memref_squeeze %dma_wait3A_98 : memref<1x128xi32, #tpu.memory_space<vmem>> -> memref<128xi32, #tpu.memory_space<vmem>>
      %dma_wait3A_100 = arith.constant 0 : i32
      %dma_wait3A_101 = arith.constant 0 : i32
      %dma_wait3A_102 = tpu.memref_slice %arg4[%dma_wait3A_100, %dma_wait3A_101] : memref<10000x32xf32, #tpu.memory_space<hbm>> -> memref<10000x32xf32, #tpu.memory_space<hbm>>
      tpu.wait_indirect_dma semaphore(%arg17 : memref<!tpu.dma_semaphore, #tpu.memory_space<semaphore_mem>>) src(%dma_wait3A_102 : memref<10000x32xf32, #tpu.memory_space<hbm>>) dst(%arg14 : memref<128x32xf32, #tpu.memory_space<vmem>>)
      "tpu.region"() ({
        %run_scoped3A = tpu.sem_alloc : memref<!tpu.dma_semaphore, #tpu.memory_space<semaphore_mem>>
        %dma_start3A_104 = arith.constant 0 : i32
        %dma_start3A_105 = tpu.memref_slice %arg13[%scan3A_91, %dma_start3A_104] : memref<79x128xi32, #tpu.memory_space<vmem>> -> memref<1x128xi32, #tpu.memory_space<vmem>>
        %dma_start3A_106 = tpu.memref_squeeze %dma_start3A_105 : memref<1x128xi32, #tpu.memory_space<vmem>> -> memref<128xi32, #tpu.memory_space<vmem>>
        %dma_start3A_107 = arith.constant 0 : i32
        %dma_start3A_108 = arith.constant 0 : i32
        %dma_start3A_109 = tpu.memref_slice %arg16[%dma_start3A_107, %dma_start3A_108] : memref<10240x32xf32, #tpu.memory_space<vmem_shared>> -> memref<10240x32xf32, #tpu.memory_space<vmem_shared>>
        tpu.enqueue_indirect_dma source(%arg14 : memref<128x32xf32, #tpu.memory_space<vmem>>) target(%dma_start3A_109 : memref<10240x32xf32, #tpu.memory_space<vmem_shared>>) offsets(%dma_start3A_106 : memref<128xi32, #tpu.memory_space<vmem>>) semaphore(%run_scoped3A : memref<!tpu.dma_semaphore, #tpu.memory_space<semaphore_mem>>) {add = true}
        %dma_wait3A_110 = arith.constant 0 : i32
        %dma_wait3A_111 = tpu.memref_slice %arg13[%scan3A_91, %dma_wait3A_110] : memref<79x128xi32, #tpu.memory_space<vmem>> -> memref<1x128xi32, #tpu.memory_space<vmem>>
        %dma_wait3A_112 = tpu.memref_squeeze %dma_wait3A_111 : memref<1x128xi32, #tpu.memory_space<vmem>> -> memref<128xi32, #tpu.memory_space<vmem>>
        %dma_wait3A_113 = arith.constant 0 : i32
        %dma_wait3A_114 = arith.constant 0 : i32
        %dma_wait3A_115 = tpu.memref_slice %arg16[%dma_wait3A_113, %dma_wait3A_114] : memref<10240x32xf32, #tpu.memory_space<vmem_shared>> -> memref<10240x32xf32, #tpu.memory_space<vmem_shared>>
        tpu.wait_indirect_dma semaphore(%run_scoped3A : memref<!tpu.dma_semaphore, #tpu.memory_space<semaphore_mem>>) src(%arg14 : memref<128x32xf32, #tpu.memory_space<vmem>>) dst(%dma_wait3A_115 : memref<10240x32xf32, #tpu.memory_space<vmem_shared>>)
        tpu.yield
      }) : () -> ()
      %scan3A_103 = arith.constant 0 : i32
      scf.yield %scan3A_103 : i32
    }
    %scan3A_63 = arith.constant 79 : i32
    %barrier3A_64 = arith.constant 0 : index
    tpu.barrier barrier_id(%barrier3A_64)
    %mul3A_65 = arith.constant 640 : i32
    %mul3A_66 = arith.muli %arg1, %mul3A_65 : i32
    "tpu.region"() ({
      %run_scoped3A = tpu.sem_alloc : memref<!tpu.dma_semaphore, #tpu.memory_space<semaphore_mem>>
      %dma_start3A = arith.constant 0 : i32
      %dma_start3A_91 = tpu.memref_slice %arg16[%mul3A_66, %dma_start3A] : memref<10240x32xf32, #tpu.memory_space<vmem_shared>> -> memref<640x32xf32, #tpu.memory_space<vmem_shared>>
      %dma_start3A_92 = arith.constant 0 : i32
      %dma_start3A_93 = tpu.memref_slice %arg16[%mul3A_66, %dma_start3A_92] : memref<10240x32xf32, #tpu.memory_space<vmem_shared>> -> memref<640x32xf32, #tpu.memory_space<vmem_shared>>
      tpu.enqueue_dma source(%dma_start3A_93 : memref<640x32xf32, #tpu.memory_space<vmem_shared>>) target(%arg15 : memref<640x32xf32, #tpu.memory_space<vmem>>) target_semaphore(%run_scoped3A : memref<!tpu.dma_semaphore, #tpu.memory_space<semaphore_mem>>)
      %dma_wait3A = arith.constant 0 : i32
      %dma_wait3A_94 = tpu.memref_slice %arg16[%mul3A_66, %dma_wait3A] : memref<10240x32xf32, #tpu.memory_space<vmem_shared>> -> memref<640x32xf32, #tpu.memory_space<vmem_shared>>
      %dma_wait3A_95 = arith.constant 0 : i32
      %dma_wait3A_96 = tpu.memref_slice %arg16[%mul3A_66, %dma_wait3A_95] : memref<10240x32xf32, #tpu.memory_space<vmem_shared>> -> memref<640x32xf32, #tpu.memory_space<vmem_shared>>
      tpu.wait_dma2 semaphore(%run_scoped3A : memref<!tpu.dma_semaphore, #tpu.memory_space<semaphore_mem>>) src(%dma_wait3A_96 : memref<640x32xf32, #tpu.memory_space<vmem_shared>>) dst(%arg15 : memref<640x32xf32, #tpu.memory_space<vmem>>)
      tpu.yield
    }) : () -> ()
    %mul3A_67 = arith.constant 640 : i32
    %mul3A_68 = arith.muli %arg1, %mul3A_67 : i32
    "tpu.region"() ({
      %run_scoped3A = tpu.sem_alloc : memref<!tpu.dma_semaphore, #tpu.memory_space<semaphore_mem>>
      %dma_start3A = arith.constant 0 : i32
      %dma_start3A_91 = tpu.memref_slice %arg10[%arg0, %mul3A_68, %dma_start3A] : memref<2x10240x32xf32, #tpu.memory_space<hbm>> -> memref<1x640x32xf32, #tpu.memory_space<hbm>>
      %dma_start3A_92 = tpu.memref_squeeze %dma_start3A_91 : memref<1x640x32xf32, #tpu.memory_space<hbm>> -> memref<640x32xf32, #tpu.memory_space<hbm>>
      %dma_start3A_93 = arith.constant 0 : i32
      %dma_start3A_94 = tpu.memref_slice %arg10[%arg0, %mul3A_68, %dma_start3A_93] : memref<2x10240x32xf32, #tpu.memory_space<hbm>> -> memref<1x640x32xf32, #tpu.memory_space<hbm>>
      %dma_start3A_95 = tpu.memref_squeeze %dma_start3A_94 : memref<1x640x32xf32, #tpu.memory_space<hbm>> -> memref<640x32xf32, #tpu.memory_space<hbm>>
      tpu.enqueue_dma source(%arg15 : memref<640x32xf32, #tpu.memory_space<vmem>>) target(%dma_start3A_95 : memref<640x32xf32, #tpu.memory_space<hbm>>) target_semaphore(%run_scoped3A : memref<!tpu.dma_semaphore, #tpu.memory_space<semaphore_mem>>)
      %dma_wait3A = arith.constant 0 : i32
      %dma_wait3A_96 = tpu.memref_slice %arg10[%arg0, %mul3A_68, %dma_wait3A] : memref<2x10240x32xf32, #tpu.memory_space<hbm>> -> memref<1x640x32xf32, #tpu.memory_space<hbm>>
      %dma_wait3A_97 = tpu.memref_squeeze %dma_wait3A_96 : memref<1x640x32xf32, #tpu.memory_space<hbm>> -> memref<640x32xf32, #tpu.memory_space<hbm>>
      %dma_wait3A_98 = arith.constant 0 : i32
      %dma_wait3A_99 = tpu.memref_slice %arg10[%arg0, %mul3A_68, %dma_wait3A_98] : memref<2x10240x32xf32, #tpu.memory_space<hbm>> -> memref<1x640x32xf32, #tpu.memory_space<hbm>>
      %dma_wait3A_100 = tpu.memref_squeeze %dma_wait3A_99 : memref<1x640x32xf32, #tpu.memory_space<hbm>> -> memref<640x32xf32, #tpu.memory_space<hbm>>
      tpu.wait_dma2 semaphore(%run_scoped3A : memref<!tpu.dma_semaphore, #tpu.memory_space<semaphore_mem>>) src(%arg15 : memref<640x32xf32, #tpu.memory_space<vmem>>) dst(%dma_wait3A_100 : memref<640x32xf32, #tpu.memory_space<hbm>>)
      tpu.yield
    }) : () -> ()
    %scan3A_69 = arith.constant 0 : i32
    %scan3A_70 = arith.constant 0 : i32
    %scan3A_71 = arith.constant 640 : i32
    %scan3A_72 = arith.addi %scan3A_70, %scan3A_71 : i32
    %scan3A_73 = arith.constant 1 : i32
    %scan3A_74 = scf.for %scan3A_91 = %scan3A_70 to %scan3A_72 step %scan3A_73 iter_args(%scan3A_92 = %scan3A_69) -> (i32)  : i32 {
      %broadcast_in_dim3A = arith.constant 0.000000e+00 : f32
      %broadcast_in_dim3A_93 = vector.broadcast %broadcast_in_dim3A : f32 to vector<16xf32>
      %swap3A = arith.index_cast %scan3A_91 : i32 to index
      %swap3A_94 = arith.constant 0 : index
      %swap3A_95 = tpu.vector_load %arg15[%swap3A, %swap3A_94] {strides = array<i32>} : memref<640x32xf32, #tpu.memory_space<vmem>>, vector<1x16xf32>,
      %swap3A_96 = vector.shape_cast %swap3A_95 : vector<1x16xf32> to vector<16xf32>
      %swap3A_97 = vector.shape_cast %broadcast_in_dim3A_93 : vector<16xf32> to vector<1x16xf32>
      tpu.vector_store %arg15[%swap3A, %swap3A_94], %swap3A_97 {strides = array<i32>} : memref<640x32xf32, #tpu.memory_space<vmem>>, vector<1x16xf32>,
      %broadcast_in_dim3A_98 = arith.constant 0.000000e+00 : f32
      %broadcast_in_dim3A_99 = vector.broadcast %broadcast_in_dim3A_98 : f32 to vector<16xf32>
      %swap3A_100 = arith.index_cast %scan3A_91 : i32 to index
      %swap3A_101 = arith.constant 16 : index
      %swap3A_102 = tpu.vector_load %arg15[%swap3A_100, %swap3A_101] {strides = array<i32>} : memref<640x32xf32, #tpu.memory_space<vmem>>, vector<1x16xf32>,
      %swap3A_103 = vector.shape_cast %swap3A_102 : vector<1x16xf32> to vector<16xf32>
      %swap3A_104 = vector.shape_cast %broadcast_in_dim3A_99 : vector<16xf32> to vector<1x16xf32>
      tpu.vector_store %arg15[%swap3A_100, %swap3A_101], %swap3A_104 {strides = array<i32>} : memref<640x32xf32, #tpu.memory_space<vmem>>, vector<1x16xf32>,
      %scan3A_105 = arith.constant 0 : i32
      scf.yield %scan3A_105 : i32
    }
    %scan3A_75 = arith.constant 640 : i32
    %mul3A_76 = arith.constant 640 : i32
    %mul3A_77 = arith.muli %arg1, %mul3A_76 : i32
    "tpu.region"() ({
      %run_scoped3A = tpu.sem_alloc : memref<!tpu.dma_semaphore, #tpu.memory_space<semaphore_mem>>
      %dma_start3A = arith.constant 0 : i32
      %dma_start3A_91 = tpu.memref_slice %arg16[%mul3A_77, %dma_start3A] : memref<10240x32xf32, #tpu.memory_space<vmem_shared>> -> memref<640x32xf32, #tpu.memory_space<vmem_shared>>
      %dma_start3A_92 = arith.constant 0 : i32
      %dma_start3A_93 = tpu.memref_slice %arg16[%mul3A_77, %dma_start3A_92] : memref<10240x32xf32, #tpu.memory_space<vmem_shared>> -> memref<640x32xf32, #tpu.memory_space<vmem_shared>>
      tpu.enqueue_dma source(%arg15 : memref<640x32xf32, #tpu.memory_space<vmem>>) target(%dma_start3A_93 : memref<640x32xf32, #tpu.memory_space<vmem_shared>>) target_semaphore(%run_scoped3A : memref<!tpu.dma_semaphore, #tpu.memory_space<semaphore_mem>>)
      %dma_wait3A = arith.constant 0 : i32
      %dma_wait3A_94 = tpu.memref_slice %arg16[%mul3A_77, %dma_wait3A] : memref<10240x32xf32, #tpu.memory_space<vmem_shared>> -> memref<640x32xf32, #tpu.memory_space<vmem_shared>>
      %dma_wait3A_95 = arith.constant 0 : i32
      %dma_wait3A_96 = tpu.memref_slice %arg16[%mul3A_77, %dma_wait3A_95] : memref<10240x32xf32, #tpu.memory_space<vmem_shared>> -> memref<640x32xf32, #tpu.memory_space<vmem_shared>>
      tpu.wait_dma2 semaphore(%run_scoped3A : memref<!tpu.dma_semaphore, #tpu.memory_space<semaphore_mem>>) src(%arg15 : memref<640x32xf32, #tpu.memory_space<vmem>>) dst(%dma_wait3A_96 : memref<640x32xf32, #tpu.memory_space<vmem_shared>>)
      tpu.yield
    }) : () -> ()
    %barrier3A_78 = arith.constant 0 : index
    tpu.barrier barrier_id(%barrier3A_78)
    %scan3A_79 = arith.constant 0 : i32
    %scan3A_80 = arith.constant 0 : i32
    %scan3A_81 = arith.constant 79 : i32
    %scan3A_82 = arith.addi %scan3A_80, %scan3A_81 : i32
    %scan3A_83 = arith.constant 1 : i32
    %scan3A_84 = scf.for %scan3A_91 = %scan3A_80 to %scan3A_82 step %scan3A_83 iter_args(%scan3A_92 = %scan3A_79) -> (i32)  : i32 {
      %dma_start3A = arith.constant 0 : i32
      %dma_start3A_93 = tpu.memref_slice %arg12[%scan3A_91, %dma_start3A] : memref<79x128xi32, #tpu.memory_space<vmem>> -> memref<1x128xi32, #tpu.memory_space<vmem>>
      %dma_start3A_94 = tpu.memref_squeeze %dma_start3A_93 : memref<1x128xi32, #tpu.memory_space<vmem>> -> memref<128xi32, #tpu.memory_space<vmem>>
      %dma_start3A_95 = arith.constant 0 : i32
      %dma_start3A_96 = arith.constant 0 : i32
      %dma_start3A_97 = tpu.memref_slice %arg5[%dma_start3A_95, %dma_start3A_96] : memref<10000x32xf32, #tpu.memory_space<hbm>> -> memref<10000x32xf32, #tpu.memory_space<hbm>>
      tpu.enqueue_indirect_dma source(%dma_start3A_97 : memref<10000x32xf32, #tpu.memory_space<hbm>>) target(%arg14 : memref<128x32xf32, #tpu.memory_space<vmem>>) offsets(%dma_start3A_94 : memref<128xi32, #tpu.memory_space<vmem>>) semaphore(%arg17 : memref<!tpu.dma_semaphore, #tpu.memory_space<semaphore_mem>>)
      %dma_wait3A = arith.constant 0 : i32
      %dma_wait3A_98 = tpu.memref_slice %arg12[%scan3A_91, %dma_wait3A] : memref<79x128xi32, #tpu.memory_space<vmem>> -> memref<1x128xi32, #tpu.memory_space<vmem>>
      %dma_wait3A_99 = tpu.memref_squeeze %dma_wait3A_98 : memref<1x128xi32, #tpu.memory_space<vmem>> -> memref<128xi32, #tpu.memory_space<vmem>>
      %dma_wait3A_100 = arith.constant 0 : i32
      %dma_wait3A_101 = arith.constant 0 : i32
      %dma_wait3A_102 = tpu.memref_slice %arg5[%dma_wait3A_100, %dma_wait3A_101] : memref<10000x32xf32, #tpu.memory_space<hbm>> -> memref<10000x32xf32, #tpu.memory_space<hbm>>
      tpu.wait_indirect_dma semaphore(%arg17 : memref<!tpu.dma_semaphore, #tpu.memory_space<semaphore_mem>>) src(%dma_wait3A_102 : memref<10000x32xf32, #tpu.memory_space<hbm>>) dst(%arg14 : memref<128x32xf32, #tpu.memory_space<vmem>>)
      "tpu.region"() ({
        %run_scoped3A = tpu.sem_alloc : memref<!tpu.dma_semaphore, #tpu.memory_space<semaphore_mem>>
        %dma_start3A_104 = arith.constant 0 : i32
        %dma_start3A_105 = tpu.memref_slice %arg13[%scan3A_91, %dma_start3A_104] : memref<79x128xi32, #tpu.memory_space<vmem>> -> memref<1x128xi32, #tpu.memory_space<vmem>>
        %dma_start3A_106 = tpu.memref_squeeze %dma_start3A_105 : memref<1x128xi32, #tpu.memory_space<vmem>> -> memref<128xi32, #tpu.memory_space<vmem>>
        %dma_start3A_107 = arith.constant 0 : i32
        %dma_start3A_108 = arith.constant 0 : i32
        %dma_start3A_109 = tpu.memref_slice %arg16[%dma_start3A_107, %dma_start3A_108] : memref<10240x32xf32, #tpu.memory_space<vmem_shared>> -> memref<10240x32xf32, #tpu.memory_space<vmem_shared>>
        tpu.enqueue_indirect_dma source(%arg14 : memref<128x32xf32, #tpu.memory_space<vmem>>) target(%dma_start3A_109 : memref<10240x32xf32, #tpu.memory_space<vmem_shared>>) offsets(%dma_start3A_106 : memref<128xi32, #tpu.memory_space<vmem>>) semaphore(%run_scoped3A : memref<!tpu.dma_semaphore, #tpu.memory_space<semaphore_mem>>) {add = true}
        %dma_wait3A_110 = arith.constant 0 : i32
        %dma_wait3A_111 = tpu.memref_slice %arg13[%scan3A_91, %dma_wait3A_110] : memref<79x128xi32, #tpu.memory_space<vmem>> -> memref<1x128xi32, #tpu.memory_space<vmem>>
        %dma_wait3A_112 = tpu.memref_squeeze %dma_wait3A_111 : memref<1x128xi32, #tpu.memory_space<vmem>> -> memref<128xi32, #tpu.memory_space<vmem>>
        %dma_wait3A_113 = arith.constant 0 : i32
        %dma_wait3A_114 = arith.constant 0 : i32
        %dma_wait3A_115 = tpu.memref_slice %arg16[%dma_wait3A_113, %dma_wait3A_114] : memref<10240x32xf32, #tpu.memory_space<vmem_shared>> -> memref<10240x32xf32, #tpu.memory_space<vmem_shared>>
        tpu.wait_indirect_dma semaphore(%run_scoped3A : memref<!tpu.dma_semaphore, #tpu.memory_space<semaphore_mem>>) src(%arg14 : memref<128x32xf32, #tpu.memory_space<vmem>>) dst(%dma_wait3A_115 : memref<10240x32xf32, #tpu.memory_space<vmem_shared>>)
        tpu.yield
      }) : () -> ()
      %scan3A_103 = arith.constant 0 : i32
      scf.yield %scan3A_103 : i32
    }
    %scan3A_85 = arith.constant 79 : i32
    %barrier3A_86 = arith.constant 0 : index
    tpu.barrier barrier_id(%barrier3A_86)
    %mul3A_87 = arith.constant 640 : i32
    %mul3A_88 = arith.muli %arg1, %mul3A_87 : i32
    "tpu.region"() ({
      %run_scoped3A = tpu.sem_alloc : memref<!tpu.dma_semaphore, #tpu.memory_space<semaphore_mem>>
      %dma_start3A = arith.constant 0 : i32
      %dma_start3A_91 = tpu.memref_slice %arg16[%mul3A_88, %dma_start3A] : memref<10240x32xf32, #tpu.memory_space<vmem_shared>> -> memref<640x32xf32, #tpu.memory_space<vmem_shared>>
      %dma_start3A_92 = arith.constant 0 : i32
      %dma_start3A_93 = tpu.memref_slice %arg16[%mul3A_88, %dma_start3A_92] : memref<10240x32xf32, #tpu.memory_space<vmem_shared>> -> memref<640x32xf32, #tpu.memory_space<vmem_shared>>
      tpu.enqueue_dma source(%dma_start3A_93 : memref<640x32xf32, #tpu.memory_space<vmem_shared>>) target(%arg15 : memref<640x32xf32, #tpu.memory_space<vmem>>) target_semaphore(%run_scoped3A : memref<!tpu.dma_semaphore, #tpu.memory_space<semaphore_mem>>)
      %dma_wait3A = arith.constant 0 : i32
      %dma_wait3A_94 = tpu.memref_slice %arg16[%mul3A_88, %dma_wait3A] : memref<10240x32xf32, #tpu.memory_space<vmem_shared>> -> memref<640x32xf32, #tpu.memory_space<vmem_shared>>
      %dma_wait3A_95 = arith.constant 0 : i32
      %dma_wait3A_96 = tpu.memref_slice %arg16[%mul3A_88, %dma_wait3A_95] : memref<10240x32xf32, #tpu.memory_space<vmem_shared>> -> memref<640x32xf32, #tpu.memory_space<vmem_shared>>
      tpu.wait_dma2 semaphore(%run_scoped3A : memref<!tpu.dma_semaphore, #tpu.memory_space<semaphore_mem>>) src(%dma_wait3A_96 : memref<640x32xf32, #tpu.memory_space<vmem_shared>>) dst(%arg15 : memref<640x32xf32, #tpu.memory_space<vmem>>)
      tpu.yield
    }) : () -> ()
    %mul3A_89 = arith.constant 640 : i32
    %mul3A_90 = arith.muli %arg1, %mul3A_89 : i32
    "tpu.region"() ({
      %run_scoped3A = tpu.sem_alloc : memref<!tpu.dma_semaphore, #tpu.memory_space<semaphore_mem>>
      %dma_start3A = arith.constant 0 : i32
      %dma_start3A_91 = tpu.memref_slice %arg11[%arg0, %mul3A_90, %dma_start3A] : memref<2x10240x32xf32, #tpu.memory_space<hbm>> -> memref<1x640x32xf32, #tpu.memory_space<hbm>>
      %dma_start3A_92 = tpu.memref_squeeze %dma_start3A_91 : memref<1x640x32xf32, #tpu.memory_space<hbm>> -> memref<640x32xf32, #tpu.memory_space<hbm>>
      %dma_start3A_93 = arith.constant 0 : i32
      %dma_start3A_94 = tpu.memref_slice %arg11[%arg0, %mul3A_90, %dma_start3A_93] : memref<2x10240x32xf32, #tpu.memory_space<hbm>> -> memref<1x640x32xf32, #tpu.memory_space<hbm>>
      %dma_start3A_95 = tpu.memref_squeeze %dma_start3A_94 : memref<1x640x32xf32, #tpu.memory_space<hbm>> -> memref<640x32xf32, #tpu.memory_space<hbm>>
      tpu.enqueue_dma source(%arg15 : memref<640x32xf32, #tpu.memory_space<vmem>>) target(%dma_start3A_95 : memref<640x32xf32, #tpu.memory_space<hbm>>) target_semaphore(%run_scoped3A : memref<!tpu.dma_semaphore, #tpu.memory_space<semaphore_mem>>)
      %dma_wait3A = arith.constant 0 : i32
      %dma_wait3A_96 = tpu.memref_slice %arg11[%arg0, %mul3A_90, %dma_wait3A] : memref<2x10240x32xf32, #tpu.memory_space<hbm>> -> memref<1x640x32xf32, #tpu.memory_space<hbm>>
      %dma_wait3A_97 = tpu.memref_squeeze %dma_wait3A_96 : memref<1x640x32xf32, #tpu.memory_space<hbm>> -> memref<640x32xf32, #tpu.memory_space<hbm>>
      %dma_wait3A_98 = arith.constant 0 : i32
      %dma_wait3A_99 = tpu.memref_slice %arg11[%arg0, %mul3A_90, %dma_wait3A_98] : memref<2x10240x32xf32, #tpu.memory_space<hbm>> -> memref<1x640x32xf32, #tpu.memory_space<hbm>>
      %dma_wait3A_100 = tpu.memref_squeeze %dma_wait3A_99 : memref<1x640x32xf32, #tpu.memory_space<hbm>> -> memref<640x32xf32, #tpu.memory_space<hbm>>
      tpu.wait_dma2 semaphore(%run_scoped3A : memref<!tpu.dma_semaphore, #tpu.memory_space<semaphore_mem>>) src(%arg15 : memref<640x32xf32, #tpu.memory_space<vmem>>) dst(%dma_wait3A_100 : memref<640x32xf32, #tpu.memory_space<hbm>>)
      tpu.yield
    }) : () -> ()
    return
  }
}

module attributes {stable_mosaic.version = 14 : i64} {
  func.func @body(%arg0: i32, %arg1: memref<512x128xf32, #tpu.memory_space<vmem>>, %arg2: memref<128x128xf32, #tpu.memory_space<vmem>>, %arg3: memref<10240xf32, #tpu.memory_space<vmem>>, %arg4: memref<10240xf32, #tpu.memory_space<vmem>>, %arg5: memref<512x128xf32, #tpu.memory_space<vmem>>) attributes {dimension_semantics = [#tpu.dimension_semantics<arbitrary>], iteration_bounds = array<i64: 20>, scalar_prefetch = 0 : i64, scratch_operands = 0 : i64, tpu.core_type = #tpu.core_type<tc>, window_params = [{transform_indices = @transform_0, window_bounds = array<i64: 512, 128>}, {pipeline_mode = #tpu.pipeline_mode<synchronous>, transform_indices = @transform_1, window_bounds = array<i64: 128, 128>}, {pipeline_mode = #tpu.pipeline_mode<synchronous>, transform_indices = @transform_2, window_bounds = array<i64: 10240>}, {pipeline_mode = #tpu.pipeline_mode<synchronous>, transform_indices = @transform_3, window_bounds = array<i64: 10240>}, {transform_indices = @transform_4, window_bounds = array<i64: 512, 128>}]} {
    %mul3A = arith.constant 512 : i32
    %mul3A_0 = arith.muli %arg0, %mul3A : i32
    %get3A = arith.index_cast %mul3A_0 : i32 to index
    %get3A_1 = vector.load %arg3[%get3A] : memref<10240xf32, #tpu.memory_space<vmem>>, vector<512xf32>
    %mul3A_2 = arith.constant 512 : i32
    %mul3A_3 = arith.muli %arg0, %mul3A_2 : i32
    %get3A_4 = arith.index_cast %mul3A_3 : i32 to index
    %get3A_5 = vector.load %arg4[%get3A_4] : memref<10240xf32, #tpu.memory_space<vmem>>, vector<512xf32>
    %add3A = arith.addf %get3A_1, %get3A_5 : vector<512xf32>
    %add3A_6 = arith.constant 1.000000e+00 : f32
    %add3A_7 = vector.broadcast %add3A_6 : f32 to vector<512xf32>
    %add3A_8 = arith.addf %add3A, %add3A_7 : vector<512xf32>
    %rsqrt3A = math.rsqrt %add3A_8 : vector<512xf32>
    %get3A_9 = arith.constant 0 : index
    %get3A_10 = arith.constant 0 : index
    %get3A_11 = vector.load %arg1[%get3A_9, %get3A_10] : memref<512x128xf32, #tpu.memory_space<vmem>>, vector<512x128xf32>
    %get3A_12 = arith.constant 0 : index
    %get3A_13 = arith.constant 0 : index
    %get3A_14 = vector.load %arg2[%get3A_12, %get3A_13] : memref<128x128xf32, #tpu.memory_space<vmem>>, vector<128x128xf32>
    %dot_general3A = arith.constant dense<0.000000e+00> : vector<512x128xf32>
    %dot_general3A_15 = tpu.matmul %get3A_11, %get3A_14, %dot_general3A {dimension_numbers = #tpu.dot_dimension_numbers<[1], [0], [0], [1], [0, 0, 1, 1], [], []>, transpose_lhs_hint = false} : vector<512x128xf32>, vector<128x128xf32>, vector<512x128xf32> -> vector<512x128xf32>
    %broadcast_in_dim3A = vector.shape_cast %rsqrt3A : vector<512xf32> to vector<512x1xf32>
    %mul3A_16 = vector.broadcast %broadcast_in_dim3A : vector<512x1xf32> to vector<512x128xf32>
    %mul3A_17 = arith.mulf %dot_general3A_15, %mul3A_16 : vector<512x128xf32>
    %swap3A = arith.constant 0 : index
    %swap3A_18 = arith.constant 0 : index
    %swap3A_19 = vector.load %arg5[%swap3A, %swap3A_18] : memref<512x128xf32, #tpu.memory_space<vmem>>, vector<512x128xf32>
    tpu.vector_store %arg5[%swap3A, %swap3A_18], %mul3A_17 {strides = array<i32>} : memref<512x128xf32, #tpu.memory_space<vmem>>, vector<512x128xf32>,
    return
  }
  func.func @transform_0(%arg0: i32) -> (i32, i32) {
    %c0_i32 = arith.constant 0 : i32
    %c0_i32_0 = arith.constant 0 : i32
    return %arg0, %c0_i32 : i32, i32
  }
  func.func @transform_1(%arg0: i32) -> (i32, i32) {
    %c0_i32 = arith.constant 0 : i32
    %c0_i32_0 = arith.constant 0 : i32
    %c0_i32_1 = arith.constant 0 : i32
    return %c0_i32, %c0_i32_0 : i32, i32
  }
  func.func @transform_2(%arg0: i32) -> i32 {
    %c0_i32 = arith.constant 0 : i32
    %c0_i32_0 = arith.constant 0 : i32
    return %c0_i32 : i32
  }
  func.func @transform_3(%arg0: i32) -> i32 {
    %c0_i32 = arith.constant 0 : i32
    %c0_i32_0 = arith.constant 0 : i32
    return %c0_i32 : i32
  }
  func.func @transform_4(%arg0: i32) -> (i32, i32) {
    %c0_i32 = arith.constant 0 : i32
    %c0_i32_0 = arith.constant 0 : i32
    return %arg0, %c0_i32 : i32, i32
  }
}

module attributes {stable_mosaic.version = 14 : i64} {
  func.func @body(%arg0: i32, %arg1: memref<2x512x32xf32, #tpu.memory_space<vmem>>, %arg2: memref<2x512x32xf32, #tpu.memory_space<vmem>>, %arg3: memref<2x512x32xf32, #tpu.memory_space<vmem>>, %arg4: memref<2x512x32xf32, #tpu.memory_space<vmem>>, %arg5: memref<4x512x32xf32, #tpu.memory_space<vmem>>, %arg6: memref<10240xf32, #tpu.memory_space<vmem>>, %arg7: memref<10240xf32, #tpu.memory_space<vmem>>, %arg8: memref<128x128xf32, #tpu.memory_space<vmem>>, %arg9: memref<4x1x32xf32, #tpu.memory_space<vmem>>, %arg10: memref<4x1x32xf32, #tpu.memory_space<vmem>>, %arg11: memref<4x1x32xf32, #tpu.memory_space<vmem>>, %arg12: memref<1x128xf32, #tpu.memory_space<vmem>>, %arg13: memref<1x128xf32, #tpu.memory_space<vmem>>, %arg14: memref<4x512x32xf32, #tpu.memory_space<vmem>>, %arg15: memref<512x128xf32, #tpu.memory_space<vmem>>) attributes {dimension_semantics = [#tpu.dimension_semantics<arbitrary>], iteration_bounds = array<i64: 20>, scalar_prefetch = 0 : i64, scratch_operands = 0 : i64, tpu.core_type = #tpu.core_type<tc>, window_params = [{transform_indices = @transform_0, window_bounds = array<i64: 2, 512, 32>}, {transform_indices = @transform_1, window_bounds = array<i64: 2, 512, 32>}, {transform_indices = @transform_2, window_bounds = array<i64: 2, 512, 32>}, {transform_indices = @transform_3, window_bounds = array<i64: 2, 512, 32>}, {transform_indices = @transform_4, window_bounds = array<i64: 4, 512, 32>}, {pipeline_mode = #tpu.pipeline_mode<synchronous>, transform_indices = @transform_5, window_bounds = array<i64: 10240>}, {pipeline_mode = #tpu.pipeline_mode<synchronous>, transform_indices = @transform_6, window_bounds = array<i64: 10240>}, {pipeline_mode = #tpu.pipeline_mode<synchronous>, transform_indices = @transform_7, window_bounds = array<i64: 128, 128>}, {pipeline_mode = #tpu.pipeline_mode<synchronous>, transform_indices = @transform_8, window_bounds = array<i64: 4, 1, 32>}, {pipeline_mode = #tpu.pipeline_mode<synchronous>, transform_indices = @transform_9, window_bounds = array<i64: 4, 1, 32>}, {pipeline_mode = #tpu.pipeline_mode<synchronous>, transform_indices = @transform_10, window_bounds = array<i64: 4, 1, 32>}, {pipeline_mode = #tpu.pipeline_mode<synchronous>, transform_indices = @transform_11, window_bounds = array<i64: 1, 128>}, {pipeline_mode = #tpu.pipeline_mode<synchronous>, transform_indices = @transform_12, window_bounds = array<i64: 1, 128>}, {transform_indices = @transform_13, window_bounds = array<i64: 4, 512, 32>}, {transform_indices = @transform_14, window_bounds = array<i64: 512, 128>}]} {
    %mul3A = arith.constant 512 : i32
    %mul3A_0 = arith.muli %arg0, %mul3A : i32
    %get3A = arith.index_cast %mul3A_0 : i32 to index
    %get3A_1 = vector.load %arg6[%get3A] : memref<10240xf32, #tpu.memory_space<vmem>>, vector<512xf32>
    %mul3A_2 = arith.constant 512 : i32
    %mul3A_3 = arith.muli %arg0, %mul3A_2 : i32
    %get3A_4 = arith.index_cast %mul3A_3 : i32 to index
    %get3A_5 = vector.load %arg7[%get3A_4] : memref<10240xf32, #tpu.memory_space<vmem>>, vector<512xf32>
    %add3A = arith.addf %get3A_1, %get3A_5 : vector<512xf32>
    %add3A_6 = arith.constant 1.000000e+00 : f32
    %add3A_7 = vector.broadcast %add3A_6 : f32 to vector<512xf32>
    %add3A_8 = arith.addf %add3A, %add3A_7 : vector<512xf32>
    %rsqrt3A = math.rsqrt %add3A_8 : vector<512xf32>
    %broadcast_in_dim3A = vector.shape_cast %rsqrt3A : vector<512xf32> to vector<512x1xf32>
    %broadcast_in_dim3A_9 = arith.constant 0.000000e+00 : f32
    %broadcast_in_dim3A_10 = vector.broadcast %broadcast_in_dim3A_9 : f32 to vector<512x128xf32>
    %get3A_11 = arith.constant 0 : index
    %get3A_12 = arith.constant 0 : index
    %get3A_13 = arith.constant 0 : index
    %get3A_14 = vector.load %arg1[%get3A_11, %get3A_12, %get3A_13] : memref<2x512x32xf32, #tpu.memory_space<vmem>>, vector<1x512x32xf32>
    %get3A_15 = vector.shape_cast %get3A_14 : vector<1x512x32xf32> to vector<512x32xf32>
    %get3A_16 = arith.constant 1 : index
    %get3A_17 = arith.constant 0 : index
    %get3A_18 = arith.constant 0 : index
    %get3A_19 = vector.load %arg1[%get3A_16, %get3A_17, %get3A_18] : memref<2x512x32xf32, #tpu.memory_space<vmem>>, vector<1x512x32xf32>
    %get3A_20 = vector.shape_cast %get3A_19 : vector<1x512x32xf32> to vector<512x32xf32>
    %add3A_21 = arith.addf %get3A_15, %get3A_20 : vector<512x32xf32>
    %get3A_22 = arith.constant 0 : index
    %get3A_23 = arith.constant 0 : index
    %get3A_24 = arith.constant 0 : index
    %get3A_25 = vector.load %arg5[%get3A_22, %get3A_23, %get3A_24] : memref<4x512x32xf32, #tpu.memory_space<vmem>>, vector<1x512x32xf32>
    %get3A_26 = vector.shape_cast %get3A_25 : vector<1x512x32xf32> to vector<512x32xf32>
    %add3A_27 = arith.addf %add3A_21, %get3A_26 : vector<512x32xf32>
    %get3A_28 = arith.constant 0 : index
    %get3A_29 = arith.constant 0 : index
    %get3A_30 = arith.constant 0 : index
    %get3A_31 = vector.load %arg9[%get3A_28, %get3A_29, %get3A_30] : memref<4x1x32xf32, #tpu.memory_space<vmem>>, vector<1x1x32xf32>
    %get3A_32 = vector.shape_cast %get3A_31 : vector<1x1x32xf32> to vector<32xf32>
    %broadcast_in_dim3A_33 = vector.shape_cast %get3A_32 : vector<32xf32> to vector<1x32xf32>
    %get3A_34 = arith.constant 0 : index
    %get3A_35 = arith.constant 0 : index
    %get3A_36 = arith.constant 0 : index
    %get3A_37 = vector.load %arg10[%get3A_34, %get3A_35, %get3A_36] : memref<4x1x32xf32, #tpu.memory_space<vmem>>, vector<1x1x32xf32>
    %get3A_38 = vector.shape_cast %get3A_37 : vector<1x1x32xf32> to vector<32xf32>
    %broadcast_in_dim3A_39 = vector.shape_cast %get3A_38 : vector<32xf32> to vector<1x32xf32>
    %get3A_40 = arith.constant 0 : index
    %get3A_41 = arith.constant 0 : index
    %get3A_42 = arith.constant 0 : index
    %get3A_43 = vector.load %arg11[%get3A_40, %get3A_41, %get3A_42] : memref<4x1x32xf32, #tpu.memory_space<vmem>>, vector<1x1x32xf32>
    %get3A_44 = vector.shape_cast %get3A_43 : vector<1x1x32xf32> to vector<32xf32>
    %broadcast_in_dim3A_45 = vector.shape_cast %get3A_44 : vector<32xf32> to vector<1x32xf32>
    %mul3A_46 = vector.broadcast %broadcast_in_dim3A : vector<512x1xf32> to vector<512x32xf32>
    %mul3A_47 = arith.mulf %add3A_27, %mul3A_46 : vector<512x32xf32>
    %add3A_48 = vector.broadcast %broadcast_in_dim3A_33 : vector<1x32xf32> to vector<512x32xf32>
    %add3A_49 = arith.addf %mul3A_47, %add3A_48 : vector<512x32xf32>
    %mul3A_50 = vector.broadcast %broadcast_in_dim3A_39 : vector<1x32xf32> to vector<512x32xf32>
    %mul3A_51 = arith.mulf %add3A_49, %mul3A_50 : vector<512x32xf32>
    %add3A_52 = vector.broadcast %broadcast_in_dim3A_45 : vector<1x32xf32> to vector<512x32xf32>
    %add3A_53 = arith.addf %mul3A_51, %add3A_52 : vector<512x32xf32>
    %swap3A = arith.constant 0 : index
    %swap3A_54 = arith.constant 0 : index
    %swap3A_55 = arith.constant 0 : index
    %swap3A_56 = vector.load %arg14[%swap3A, %swap3A_54, %swap3A_55] : memref<4x512x32xf32, #tpu.memory_space<vmem>>, vector<1x512x32xf32>
    %swap3A_57 = vector.shape_cast %swap3A_56 : vector<1x512x32xf32> to vector<512x32xf32>
    %swap3A_58 = vector.shape_cast %add3A_53 : vector<512x32xf32> to vector<1x512x32xf32>
    tpu.vector_store %arg14[%swap3A, %swap3A_54, %swap3A_55], %swap3A_58 {strides = array<i32>} : memref<4x512x32xf32, #tpu.memory_space<vmem>>, vector<1x512x32xf32>,
    %get3A_59 = arith.constant 0 : index
    %get3A_60 = arith.constant 0 : index
    %get3A_61 = vector.load %arg8[%get3A_59, %get3A_60] : memref<128x128xf32, #tpu.memory_space<vmem>>, vector<32x128xf32>
    %dot_general3A = arith.constant dense<0.000000e+00> : vector<512x128xf32>
    %dot_general3A_62 = tpu.matmul %add3A_53, %get3A_61, %dot_general3A {dimension_numbers = #tpu.dot_dimension_numbers<[1], [0], [0], [1], [0, 0, 1, 1], [], []>, transpose_lhs_hint = false} : vector<512x32xf32>, vector<32x128xf32>, vector<512x128xf32> -> vector<512x128xf32>
    %add3A_63 = arith.addf %broadcast_in_dim3A_10, %dot_general3A_62 : vector<512x128xf32>
    %get3A_64 = arith.constant 0 : index
    %get3A_65 = arith.constant 0 : index
    %get3A_66 = arith.constant 0 : index
    %get3A_67 = vector.load %arg2[%get3A_64, %get3A_65, %get3A_66] : memref<2x512x32xf32, #tpu.memory_space<vmem>>, vector<1x512x32xf32>
    %get3A_68 = vector.shape_cast %get3A_67 : vector<1x512x32xf32> to vector<512x32xf32>
    %get3A_69 = arith.constant 1 : index
    %get3A_70 = arith.constant 0 : index
    %get3A_71 = arith.constant 0 : index
    %get3A_72 = vector.load %arg2[%get3A_69, %get3A_70, %get3A_71] : memref<2x512x32xf32, #tpu.memory_space<vmem>>, vector<1x512x32xf32>
    %get3A_73 = vector.shape_cast %get3A_72 : vector<1x512x32xf32> to vector<512x32xf32>
    %add3A_74 = arith.addf %get3A_68, %get3A_73 : vector<512x32xf32>
    %get3A_75 = arith.constant 1 : index
    %get3A_76 = arith.constant 0 : index
    %get3A_77 = arith.constant 0 : index
    %get3A_78 = vector.load %arg5[%get3A_75, %get3A_76, %get3A_77] : memref<4x512x32xf32, #tpu.memory_space<vmem>>, vector<1x512x32xf32>
    %get3A_79 = vector.shape_cast %get3A_78 : vector<1x512x32xf32> to vector<512x32xf32>
    %add3A_80 = arith.addf %add3A_74, %get3A_79 : vector<512x32xf32>
    %get3A_81 = arith.constant 1 : index
    %get3A_82 = arith.constant 0 : index
    %get3A_83 = arith.constant 0 : index
    %get3A_84 = vector.load %arg9[%get3A_81, %get3A_82, %get3A_83] : memref<4x1x32xf32, #tpu.memory_space<vmem>>, vector<1x1x32xf32>
    %get3A_85 = vector.shape_cast %get3A_84 : vector<1x1x32xf32> to vector<32xf32>
    %broadcast_in_dim3A_86 = vector.shape_cast %get3A_85 : vector<32xf32> to vector<1x32xf32>
    %get3A_87 = arith.constant 1 : index
    %get3A_88 = arith.constant 0 : index
    %get3A_89 = arith.constant 0 : index
    %get3A_90 = vector.load %arg10[%get3A_87, %get3A_88, %get3A_89] : memref<4x1x32xf32, #tpu.memory_space<vmem>>, vector<1x1x32xf32>
    %get3A_91 = vector.shape_cast %get3A_90 : vector<1x1x32xf32> to vector<32xf32>
    %broadcast_in_dim3A_92 = vector.shape_cast %get3A_91 : vector<32xf32> to vector<1x32xf32>
    %get3A_93 = arith.constant 1 : index
    %get3A_94 = arith.constant 0 : index
    %get3A_95 = arith.constant 0 : index
    %get3A_96 = vector.load %arg11[%get3A_93, %get3A_94, %get3A_95] : memref<4x1x32xf32, #tpu.memory_space<vmem>>, vector<1x1x32xf32>
    %get3A_97 = vector.shape_cast %get3A_96 : vector<1x1x32xf32> to vector<32xf32>
    %broadcast_in_dim3A_98 = vector.shape_cast %get3A_97 : vector<32xf32> to vector<1x32xf32>
    %mul3A_99 = vector.broadcast %broadcast_in_dim3A : vector<512x1xf32> to vector<512x32xf32>
    %mul3A_100 = arith.mulf %add3A_80, %mul3A_99 : vector<512x32xf32>
    %add3A_101 = vector.broadcast %broadcast_in_dim3A_86 : vector<1x32xf32> to vector<512x32xf32>
    %add3A_102 = arith.addf %mul3A_100, %add3A_101 : vector<512x32xf32>
    %mul3A_103 = vector.broadcast %broadcast_in_dim3A_92 : vector<1x32xf32> to vector<512x32xf32>
    %mul3A_104 = arith.mulf %add3A_102, %mul3A_103 : vector<512x32xf32>
    %add3A_105 = vector.broadcast %broadcast_in_dim3A_98 : vector<1x32xf32> to vector<512x32xf32>
    %add3A_106 = arith.addf %mul3A_104, %add3A_105 : vector<512x32xf32>
    %swap3A_107 = arith.constant 1 : index
    %swap3A_108 = arith.constant 0 : index
    %swap3A_109 = arith.constant 0 : index
    %swap3A_110 = vector.load %arg14[%swap3A_107, %swap3A_108, %swap3A_109] : memref<4x512x32xf32, #tpu.memory_space<vmem>>, vector<1x512x32xf32>
    %swap3A_111 = vector.shape_cast %swap3A_110 : vector<1x512x32xf32> to vector<512x32xf32>
    %swap3A_112 = vector.shape_cast %add3A_106 : vector<512x32xf32> to vector<1x512x32xf32>
    tpu.vector_store %arg14[%swap3A_107, %swap3A_108, %swap3A_109], %swap3A_112 {strides = array<i32>} : memref<4x512x32xf32, #tpu.memory_space<vmem>>, vector<1x512x32xf32>,
    %get3A_113 = arith.constant 32 : index
    %get3A_114 = arith.constant 0 : index
    %get3A_115 = vector.load %arg8[%get3A_113, %get3A_114] : memref<128x128xf32, #tpu.memory_space<vmem>>, vector<32x128xf32>
    %dot_general3A_116 = arith.constant dense<0.000000e+00> : vector<512x128xf32>
    %dot_general3A_117 = tpu.matmul %add3A_106, %get3A_115, %dot_general3A_116 {dimension_numbers = #tpu.dot_dimension_numbers<[1], [0], [0], [1], [0, 0, 1, 1], [], []>, transpose_lhs_hint = false} : vector<512x32xf32>, vector<32x128xf32>, vector<512x128xf32> -> vector<512x128xf32>
    %add3A_118 = arith.addf %add3A_63, %dot_general3A_117 : vector<512x128xf32>
    %get3A_119 = arith.constant 0 : index
    %get3A_120 = arith.constant 0 : index
    %get3A_121 = arith.constant 0 : index
    %get3A_122 = vector.load %arg3[%get3A_119, %get3A_120, %get3A_121] : memref<2x512x32xf32, #tpu.memory_space<vmem>>, vector<1x512x32xf32>
    %get3A_123 = vector.shape_cast %get3A_122 : vector<1x512x32xf32> to vector<512x32xf32>
    %get3A_124 = arith.constant 1 : index
    %get3A_125 = arith.constant 0 : index
    %get3A_126 = arith.constant 0 : index
    %get3A_127 = vector.load %arg3[%get3A_124, %get3A_125, %get3A_126] : memref<2x512x32xf32, #tpu.memory_space<vmem>>, vector<1x512x32xf32>
    %get3A_128 = vector.shape_cast %get3A_127 : vector<1x512x32xf32> to vector<512x32xf32>
    %add3A_129 = arith.addf %get3A_123, %get3A_128 : vector<512x32xf32>
    %get3A_130 = arith.constant 2 : index
    %get3A_131 = arith.constant 0 : index
    %get3A_132 = arith.constant 0 : index
    %get3A_133 = vector.load %arg5[%get3A_130, %get3A_131, %get3A_132] : memref<4x512x32xf32, #tpu.memory_space<vmem>>, vector<1x512x32xf32>
    %get3A_134 = vector.shape_cast %get3A_133 : vector<1x512x32xf32> to vector<512x32xf32>
    %add3A_135 = arith.addf %add3A_129, %get3A_134 : vector<512x32xf32>
    %get3A_136 = arith.constant 2 : index
    %get3A_137 = arith.constant 0 : index
    %get3A_138 = arith.constant 0 : index
    %get3A_139 = vector.load %arg9[%get3A_136, %get3A_137, %get3A_138] : memref<4x1x32xf32, #tpu.memory_space<vmem>>, vector<1x1x32xf32>
    %get3A_140 = vector.shape_cast %get3A_139 : vector<1x1x32xf32> to vector<32xf32>
    %broadcast_in_dim3A_141 = vector.shape_cast %get3A_140 : vector<32xf32> to vector<1x32xf32>
    %get3A_142 = arith.constant 2 : index
    %get3A_143 = arith.constant 0 : index
    %get3A_144 = arith.constant 0 : index
    %get3A_145 = vector.load %arg10[%get3A_142, %get3A_143, %get3A_144] : memref<4x1x32xf32, #tpu.memory_space<vmem>>, vector<1x1x32xf32>
    %get3A_146 = vector.shape_cast %get3A_145 : vector<1x1x32xf32> to vector<32xf32>
    %broadcast_in_dim3A_147 = vector.shape_cast %get3A_146 : vector<32xf32> to vector<1x32xf32>
    %get3A_148 = arith.constant 2 : index
    %get3A_149 = arith.constant 0 : index
    %get3A_150 = arith.constant 0 : index
    %get3A_151 = vector.load %arg11[%get3A_148, %get3A_149, %get3A_150] : memref<4x1x32xf32, #tpu.memory_space<vmem>>, vector<1x1x32xf32>
    %get3A_152 = vector.shape_cast %get3A_151 : vector<1x1x32xf32> to vector<32xf32>
    %broadcast_in_dim3A_153 = vector.shape_cast %get3A_152 : vector<32xf32> to vector<1x32xf32>
    %mul3A_154 = vector.broadcast %broadcast_in_dim3A : vector<512x1xf32> to vector<512x32xf32>
    %mul3A_155 = arith.mulf %add3A_135, %mul3A_154 : vector<512x32xf32>
    %add3A_156 = vector.broadcast %broadcast_in_dim3A_141 : vector<1x32xf32> to vector<512x32xf32>
    %add3A_157 = arith.addf %mul3A_155, %add3A_156 : vector<512x32xf32>
    %mul3A_158 = vector.broadcast %broadcast_in_dim3A_147 : vector<1x32xf32> to vector<512x32xf32>
    %mul3A_159 = arith.mulf %add3A_157, %mul3A_158 : vector<512x32xf32>
    %add3A_160 = vector.broadcast %broadcast_in_dim3A_153 : vector<1x32xf32> to vector<512x32xf32>
    %add3A_161 = arith.addf %mul3A_159, %add3A_160 : vector<512x32xf32>
    %swap3A_162 = arith.constant 2 : index
    %swap3A_163 = arith.constant 0 : index
    %swap3A_164 = arith.constant 0 : index
    %swap3A_165 = vector.load %arg14[%swap3A_162, %swap3A_163, %swap3A_164] : memref<4x512x32xf32, #tpu.memory_space<vmem>>, vector<1x512x32xf32>
    %swap3A_166 = vector.shape_cast %swap3A_165 : vector<1x512x32xf32> to vector<512x32xf32>
    %swap3A_167 = vector.shape_cast %add3A_161 : vector<512x32xf32> to vector<1x512x32xf32>
    tpu.vector_store %arg14[%swap3A_162, %swap3A_163, %swap3A_164], %swap3A_167 {strides = array<i32>} : memref<4x512x32xf32, #tpu.memory_space<vmem>>, vector<1x512x32xf32>,
    %get3A_168 = arith.constant 64 : index
    %get3A_169 = arith.constant 0 : index
    %get3A_170 = vector.load %arg8[%get3A_168, %get3A_169] : memref<128x128xf32, #tpu.memory_space<vmem>>, vector<32x128xf32>
    %dot_general3A_171 = arith.constant dense<0.000000e+00> : vector<512x128xf32>
    %dot_general3A_172 = tpu.matmul %add3A_161, %get3A_170, %dot_general3A_171 {dimension_numbers = #tpu.dot_dimension_numbers<[1], [0], [0], [1], [0, 0, 1, 1], [], []>, transpose_lhs_hint = false} : vector<512x32xf32>, vector<32x128xf32>, vector<512x128xf32> -> vector<512x128xf32>
    %add3A_173 = arith.addf %add3A_118, %dot_general3A_172 : vector<512x128xf32>
    %get3A_174 = arith.constant 0 : index
    %get3A_175 = arith.constant 0 : index
    %get3A_176 = arith.constant 0 : index
    %get3A_177 = vector.load %arg4[%get3A_174, %get3A_175, %get3A_176] : memref<2x512x32xf32, #tpu.memory_space<vmem>>, vector<1x512x32xf32>
    %get3A_178 = vector.shape_cast %get3A_177 : vector<1x512x32xf32> to vector<512x32xf32>
    %get3A_179 = arith.constant 1 : index
    %get3A_180 = arith.constant 0 : index
    %get3A_181 = arith.constant 0 : index
    %get3A_182 = vector.load %arg4[%get3A_179, %get3A_180, %get3A_181] : memref<2x512x32xf32, #tpu.memory_space<vmem>>, vector<1x512x32xf32>
    %get3A_183 = vector.shape_cast %get3A_182 : vector<1x512x32xf32> to vector<512x32xf32>
    %add3A_184 = arith.addf %get3A_178, %get3A_183 : vector<512x32xf32>
    %get3A_185 = arith.constant 3 : index
    %get3A_186 = arith.constant 0 : index
    %get3A_187 = arith.constant 0 : index
    %get3A_188 = vector.load %arg5[%get3A_185, %get3A_186, %get3A_187] : memref<4x512x32xf32, #tpu.memory_space<vmem>>, vector<1x512x32xf32>
    %get3A_189 = vector.shape_cast %get3A_188 : vector<1x512x32xf32> to vector<512x32xf32>
    %add3A_190 = arith.addf %add3A_184, %get3A_189 : vector<512x32xf32>
    %get3A_191 = arith.constant 3 : index
    %get3A_192 = arith.constant 0 : index
    %get3A_193 = arith.constant 0 : index
    %get3A_194 = vector.load %arg9[%get3A_191, %get3A_192, %get3A_193] : memref<4x1x32xf32, #tpu.memory_space<vmem>>, vector<1x1x32xf32>
    %get3A_195 = vector.shape_cast %get3A_194 : vector<1x1x32xf32> to vector<32xf32>
    %broadcast_in_dim3A_196 = vector.shape_cast %get3A_195 : vector<32xf32> to vector<1x32xf32>
    %get3A_197 = arith.constant 3 : index
    %get3A_198 = arith.constant 0 : index
    %get3A_199 = arith.constant 0 : index
    %get3A_200 = vector.load %arg10[%get3A_197, %get3A_198, %get3A_199] : memref<4x1x32xf32, #tpu.memory_space<vmem>>, vector<1x1x32xf32>
    %get3A_201 = vector.shape_cast %get3A_200 : vector<1x1x32xf32> to vector<32xf32>
    %broadcast_in_dim3A_202 = vector.shape_cast %get3A_201 : vector<32xf32> to vector<1x32xf32>
    %get3A_203 = arith.constant 3 : index
    %get3A_204 = arith.constant 0 : index
    %get3A_205 = arith.constant 0 : index
    %get3A_206 = vector.load %arg11[%get3A_203, %get3A_204, %get3A_205] : memref<4x1x32xf32, #tpu.memory_space<vmem>>, vector<1x1x32xf32>
    %get3A_207 = vector.shape_cast %get3A_206 : vector<1x1x32xf32> to vector<32xf32>
    %broadcast_in_dim3A_208 = vector.shape_cast %get3A_207 : vector<32xf32> to vector<1x32xf32>
    %mul3A_209 = vector.broadcast %broadcast_in_dim3A : vector<512x1xf32> to vector<512x32xf32>
    %mul3A_210 = arith.mulf %add3A_190, %mul3A_209 : vector<512x32xf32>
    %add3A_211 = vector.broadcast %broadcast_in_dim3A_196 : vector<1x32xf32> to vector<512x32xf32>
    %add3A_212 = arith.addf %mul3A_210, %add3A_211 : vector<512x32xf32>
    %mul3A_213 = vector.broadcast %broadcast_in_dim3A_202 : vector<1x32xf32> to vector<512x32xf32>
    %mul3A_214 = arith.mulf %add3A_212, %mul3A_213 : vector<512x32xf32>
    %add3A_215 = vector.broadcast %broadcast_in_dim3A_208 : vector<1x32xf32> to vector<512x32xf32>
    %add3A_216 = arith.addf %mul3A_214, %add3A_215 : vector<512x32xf32>
    %swap3A_217 = arith.constant 3 : index
    %swap3A_218 = arith.constant 0 : index
    %swap3A_219 = arith.constant 0 : index
    %swap3A_220 = vector.load %arg14[%swap3A_217, %swap3A_218, %swap3A_219] : memref<4x512x32xf32, #tpu.memory_space<vmem>>, vector<1x512x32xf32>
    %swap3A_221 = vector.shape_cast %swap3A_220 : vector<1x512x32xf32> to vector<512x32xf32>
    %swap3A_222 = vector.shape_cast %add3A_216 : vector<512x32xf32> to vector<1x512x32xf32>
    tpu.vector_store %arg14[%swap3A_217, %swap3A_218, %swap3A_219], %swap3A_222 {strides = array<i32>} : memref<4x512x32xf32, #tpu.memory_space<vmem>>, vector<1x512x32xf32>,
    %get3A_223 = arith.constant 96 : index
    %get3A_224 = arith.constant 0 : index
    %get3A_225 = vector.load %arg8[%get3A_223, %get3A_224] : memref<128x128xf32, #tpu.memory_space<vmem>>, vector<32x128xf32>
    %dot_general3A_226 = arith.constant dense<0.000000e+00> : vector<512x128xf32>
    %dot_general3A_227 = tpu.matmul %add3A_216, %get3A_225, %dot_general3A_226 {dimension_numbers = #tpu.dot_dimension_numbers<[1], [0], [0], [1], [0, 0, 1, 1], [], []>, transpose_lhs_hint = false} : vector<512x32xf32>, vector<32x128xf32>, vector<512x128xf32> -> vector<512x128xf32>
    %add3A_228 = arith.addf %add3A_173, %dot_general3A_227 : vector<512x128xf32>
    %get3A_229 = arith.constant 0 : index
    %get3A_230 = arith.constant 0 : index
    %get3A_231 = vector.load %arg12[%get3A_229, %get3A_230] : memref<1x128xf32, #tpu.memory_space<vmem>>, vector<1x128xf32>
    %get3A_232 = vector.shape_cast %get3A_231 : vector<1x128xf32> to vector<128xf32>
    %broadcast_in_dim3A_233 = vector.shape_cast %get3A_232 : vector<128xf32> to vector<1x128xf32>
    %mul3A_234 = vector.broadcast %broadcast_in_dim3A_233 : vector<1x128xf32> to vector<512x128xf32>
    %mul3A_235 = arith.mulf %add3A_228, %mul3A_234 : vector<512x128xf32>
    %get3A_236 = arith.constant 0 : index
    %get3A_237 = arith.constant 0 : index
    %get3A_238 = vector.load %arg13[%get3A_236, %get3A_237] : memref<1x128xf32, #tpu.memory_space<vmem>>, vector<1x128xf32>
    %get3A_239 = vector.shape_cast %get3A_238 : vector<1x128xf32> to vector<128xf32>
    %broadcast_in_dim3A_240 = vector.shape_cast %get3A_239 : vector<128xf32> to vector<1x128xf32>
    %add3A_241 = vector.broadcast %broadcast_in_dim3A_240 : vector<1x128xf32> to vector<512x128xf32>
    %add3A_242 = arith.addf %mul3A_235, %add3A_241 : vector<512x128xf32>
    %max3A = arith.constant 0.000000e+00 : f32
    %max3A_243 = vector.broadcast %max3A : f32 to vector<512x128xf32>
    %max3A_244 = arith.maximumf %add3A_242, %max3A_243 : vector<512x128xf32>
    %swap3A_245 = arith.constant 0 : index
    %swap3A_246 = arith.constant 0 : index
    %swap3A_247 = vector.load %arg15[%swap3A_245, %swap3A_246] : memref<512x128xf32, #tpu.memory_space<vmem>>, vector<512x128xf32>
    tpu.vector_store %arg15[%swap3A_245, %swap3A_246], %max3A_244 {strides = array<i32>} : memref<512x128xf32, #tpu.memory_space<vmem>>, vector<512x128xf32>,
    return
  }
  func.func @transform_0(%arg0: i32) -> (i32, i32, i32) {
    %c0_i32 = arith.constant 0 : i32
    %c0_i32_0 = arith.constant 0 : i32
    %c0_i32_1 = arith.constant 0 : i32
    return %c0_i32, %arg0, %c0_i32_0 : i32, i32, i32
  }
  func.func @transform_1(%arg0: i32) -> (i32, i32, i32) {
    %c0_i32 = arith.constant 0 : i32
    %c0_i32_0 = arith.constant 0 : i32
    %c0_i32_1 = arith.constant 0 : i32
    return %c0_i32, %arg0, %c0_i32_0 : i32, i32, i32
  }
  func.func @transform_2(%arg0: i32) -> (i32, i32, i32) {
    %c0_i32 = arith.constant 0 : i32
    %c0_i32_0 = arith.constant 0 : i32
    %c0_i32_1 = arith.constant 0 : i32
    return %c0_i32, %arg0, %c0_i32_0 : i32, i32, i32
  }
  func.func @transform_3(%arg0: i32) -> (i32, i32, i32) {
    %c0_i32 = arith.constant 0 : i32
    %c0_i32_0 = arith.constant 0 : i32
    %c0_i32_1 = arith.constant 0 : i32
    return %c0_i32, %arg0, %c0_i32_0 : i32, i32, i32
  }
  func.func @transform_4(%arg0: i32) -> (i32, i32, i32) {
    %c0_i32 = arith.constant 0 : i32
    %c0_i32_0 = arith.constant 0 : i32
    %c0_i32_1 = arith.constant 0 : i32
    return %c0_i32, %arg0, %c0_i32_0 : i32, i32, i32
  }
  func.func @transform_5(%arg0: i32) -> i32 {
    %c0_i32 = arith.constant 0 : i32
    %c0_i32_0 = arith.constant 0 : i32
    return %c0_i32 : i32
  }
  func.func @transform_6(%arg0: i32) -> i32 {
    %c0_i32 = arith.constant 0 : i32
    %c0_i32_0 = arith.constant 0 : i32
    return %c0_i32 : i32
  }
  func.func @transform_7(%arg0: i32) -> (i32, i32) {
    %c0_i32 = arith.constant 0 : i32
    %c0_i32_0 = arith.constant 0 : i32
    %c0_i32_1 = arith.constant 0 : i32
    return %c0_i32, %c0_i32_0 : i32, i32
  }
  func.func @transform_8(%arg0: i32) -> (i32, i32, i32) {
    %c0_i32 = arith.constant 0 : i32
    %c0_i32_0 = arith.constant 0 : i32
    %c0_i32_1 = arith.constant 0 : i32
    %c0_i32_2 = arith.constant 0 : i32
    return %c0_i32, %c0_i32_0, %c0_i32_1 : i32, i32, i32
  }
  func.func @transform_9(%arg0: i32) -> (i32, i32, i32) {
    %c0_i32 = arith.constant 0 : i32
    %c0_i32_0 = arith.constant 0 : i32
    %c0_i32_1 = arith.constant 0 : i32
    %c0_i32_2 = arith.constant 0 : i32
    return %c0_i32, %c0_i32_0, %c0_i32_1 : i32, i32, i32
  }
  func.func @transform_10(%arg0: i32) -> (i32, i32, i32) {
    %c0_i32 = arith.constant 0 : i32
    %c0_i32_0 = arith.constant 0 : i32
    %c0_i32_1 = arith.constant 0 : i32
    %c0_i32_2 = arith.constant 0 : i32
    return %c0_i32, %c0_i32_0, %c0_i32_1 : i32, i32, i32
  }
  func.func @transform_11(%arg0: i32) -> (i32, i32) {
    %c0_i32 = arith.constant 0 : i32
    %c0_i32_0 = arith.constant 0 : i32
    %c0_i32_1 = arith.constant 0 : i32
    return %c0_i32, %c0_i32_0 : i32, i32
  }
  func.func @transform_12(%arg0: i32) -> (i32, i32) {
    %c0_i32 = arith.constant 0 : i32
    %c0_i32_0 = arith.constant 0 : i32
    %c0_i32_1 = arith.constant 0 : i32
    return %c0_i32, %c0_i32_0 : i32, i32
  }
  func.func @transform_13(%arg0: i32) -> (i32, i32, i32) {
    %c0_i32 = arith.constant 0 : i32
    %c0_i32_0 = arith.constant 0 : i32
    %c0_i32_1 = arith.constant 0 : i32
    return %c0_i32, %arg0, %c0_i32_0 : i32, i32, i32
  }
  func.func @transform_14(%arg0: i32) -> (i32, i32) {
    %c0_i32 = arith.constant 0 : i32
    %c0_i32_0 = arith.constant 0 : i32
    return %arg0, %c0_i32 : i32, i32
  }
}

</mosaic_0001>

<sc_bundles>
// kernel: kernel.6.cloned.1.call-start
scs
__scs_entry_jumppad:
0x0: {  	(pc) =	sbr.rel $0x88, $3  }
0x1: {  	(tag) =	ssettag $0x0;
	lr =	simm.s32 $0x1  }
0x2: {  	[smem:$0x3F93] =	sst lr;
	_ =	strace $0xD0000000  }
0x3: {  	_ = 	snop  }
0x4: {  	_ = 	snop  }
0x5: {  	_ = 	snop  }
0x6: {  	_ = 	snop  }
0x7: {  	_ = 	snop  }
__scs_overlays_trampoline_lowered:
0x8: {  	[smem:$0x3FA2] =	sst s0  }
0x9: {  	[smem:$0x3FA3] =	sst s1  }
0xa: {  	[smem:$0x3FA4] =	sst s2  }
0xb: {  	[smem:$0x3FA5] =	sst s3  }
0xc: {  	[smem:$0x3FA6] =	sst s4  }
0xd: {  	[smem:$0x3FA7] =	sst s5  }
0xe: {  	[smem:$0x3FA8] =	sst s6  }
0xf: {  	[smem:$0x3FA9] =	sst s7  }
0x10: {  	[smem:$0x3FAA] =	sst s8  }
0x11: {  	[smem:$0x3FAB] =	sst s9;
	s0 =	simm.s32 @!p0 $0x0  }
0x12: {  	s1 =	sld [smem:$0x3F91];
	s0 =	simm.s32 @p0 $0x1  }
0x13: {  	[smem:$0x3FAC] =	sst s0;
	s0 =	simm.s32 @!p1 $0x0  }
0x14: {  	s2 =	sld [smem:$0x3F90];
	s0 =	simm.s32 @p1 $0x1  }
0x15: {  	[smem:$0x3FAD] =	sst s0;
	s0 =	simm.s32 @!p2 $0x0  }
0x16: {  	s3 =	sld [smem:$0x3FDB];
	s0 =	simm.s32 @p2 $0x1  }
0x17: {  	s4 =	simm.s32 $0x1BF5;
	[smem:$0x3FAF] =	sst s0  }
0x18: {  	s0 =	sld [smem:$0x3F92];
	_ =	swait.ge [sflag:s4], $0x0  }
0x19: {  	s7 =	sld [smem:$0x3F93]  }
0x1a: {  	s8 =	sadd.s32 $0xFFFFE003, lr  }
0x1b: {  	s9 =	sadd.s32 $0xFFFFFEF7, lr;
	s5 =	simm.s32 $0xFFFFFFFF;
	p2 =	slt.u32 s8, $0xFFFFF086  }
0x1c: {  	p1 =	slt.u32 s9, $0xF7A;
	s5 =	simm.s32 @!p2 $0x0  }
0x1d: {  	s5 =	simm.s32 @p1 $0x1;
	p0 =	seq.s32 s7, s2  }
0x1e: {  	s7 =	smul.u32 @!p0 $0xF7A, s2;
	p2 =	seq.s32 @!p0 s5, $0x0  }
0x1f: {  	s9 =	smul.u32 $0xF7A, s1;
	s8 =	simm.s32 @!p0 $0x1BF5;
	p2 =	por !p2, p0  }
0x20: {  	[sflag:s8] =	ssyncset.s32 @!p0 $0xFFFFF086;
	s6 =	sadd.s32 @!p0 s3, s7;
	s7 =	simm.s32 @!p0 $0x108  }
0x21: {  	s3 =	sadd.s32 s3, s9;
	s6 =	sadd.s32 @!p0 $0x88, s6;
	s7 =	simm.s32 @p2 $0x1082  }
0x22: {  	[simem:s7], [sflag:s8] =	dma.local @!p0 [hbm:s6], $0xF7A  }
0x23: {  	s9 =	sor.u32 $0xD0000000, s2;
	s6 =	simm.s32 $0x108;
	_ =	swait.ge @!p0 [sflag:s8], $0x0  }
0x24: {  	s3 =	sadd.s32 $0x88, s3;
	s6 =	simm.s32 @!p1 $0x1082;
	[sflag:s4] =	ssyncset.s32 $0xFFFFF086  }
0x25: {  	[simem:s6], [sflag:s4] =	dma.local [hbm:s3], $0xF7A  }
0x26: {  	[smem:$0x3F93] =	sst s1;
	(tag) =	ssettag s2;
	_ =	strace s9  }
0x27: {  	s1 =	sld [smem:$0x3FA3]  }
0x28: {  	s2 =	sld [smem:$0x3FA4]  }
0x29: {  	s4 =	sld [smem:$0x3FA6]  }
0x2a: {  	p0 =	seq.s32 s5, $0x0;
	s5 =	sld [smem:$0x3FA7]  }
0x2b: {  	s6 =	sld [smem:$0x3FA8]  }
0x2c: {  	s7 =	sld [smem:$0x3FA9]  }
0x2d: {  	s3 =	simm.s32 $0x108;
	s8 =	sld [smem:$0x3FAA]  }
0x2e: {  	s3 =	simm.s32 @!p0 $0x1082;
	s9 =	sld [smem:$0x3FAB]  }
0x2f: {  	lr =	sadd.s32 s0, s3;
	s0 =	sld [smem:$0x3FA2]  }
0x30: {  	s3 =	sld [smem:$0x3FA5]  }
0x31: {  	[smem:$0x3FAE] =	sst s10  }
0x32: {  	s10 =	sld [smem:$0x3FAC];
	_ =	sdelay $0x3  }
0x33: {  	p0 =	seq.s32 s10, $0x1;
	s10 =	sld [smem:$0x3FAE];
	_ =	sdelay $0x3  }
0x34: {  	[smem:$0x3FAE] =	sst s10  }
0x35: {  	s10 =	sld [smem:$0x3FAD];
	_ =	sdelay $0x3  }
0x36: {  	p1 =	seq.s32 s10, $0x1;
	s10 =	sld [smem:$0x3FAE];
	_ =	sdelay $0x3  }
0x37: {  	[smem:$0x3FAE] =	sst s10  }
0x38: {  	s10 =	sld [smem:$0x3FAF]  }
0x39: {  	_ = 	snop;
	(pc) =	sbr.ind lr, $3  }
0x3a: {  	_ = 	snop  }
0x3b: {  	_ = 	snop  }
0x3c: {  	p2 =	seq.s32 s10, $0x1;
	s10 =	sld [smem:$0x3FAE]  }
0x3d: {  	_ =	shalt  }
0x3e: {  	_ =	shalt  }
0x3f: {  	_ =	shalt  }
0x40: {  	_ =	shalt  }
0x41: {  	_ =	shalt  }
0x42: {  	_ =	shalt  }
0x43: {  	_ =	shalt  }
0x44: {  	_ =	shalt  }
0x45: {  	_ =	shalt  }
0x46: {  	_ =	shalt  }
0x47: {  	_ =	shalt  }
0x48: {  	_ =	shalt  }
0x49: {  	_ =	shalt  }
0x4a: {  	_ =	shalt  }
0x4b: {  	_ =	shalt  }
0x4c: {  	_ =	shalt  }
0x4d: {  	_ =	shalt  }
0x4e: {  	_ =	shalt  }
0x4f: {  	_ =	shalt  }
0x50: {  	_ =	shalt  }
0x51: {  	_ =	shalt  }
0x52: {  	_ =	shalt  }
0x53: {  	_ =	shalt  }
0x54: {  	_ =	shalt  }
0x55: {  	_ =	shalt  }
0x56: {  	_ =	shalt  }
0x57: {  	_ =	shalt  }
0x58: {  	_ =	shalt  }
0x59: {  	_ =	shalt  }
0x5a: {  	_ =	shalt  }
0x5b: {  	_ =	shalt  }
0x5c: {  	_ =	shalt  }
0x5d: {  	_ =	shalt  }
0x5e: {  	_ =	shalt  }
0x5f: {  	_ =	shalt  }
0x60: {  	_ =	shalt  }
0x61: {  	_ =	shalt  }
0x62: {  	_ =	shalt  }
0x63: {  	_ =	shalt  }
0x64: {  	_ =	shalt  }
0x65: {  	_ =	shalt  }
0x66: {  	_ =	shalt  }
0x67: {  	_ =	shalt  }
0x68: {  	_ =	shalt  }
0x69: {  	_ =	shalt  }
0x6a: {  	_ =	shalt  }
0x6b: {  	_ =	shalt  }
0x6c: {  	_ =	shalt  }
0x6d: {  	_ =	shalt  }
0x6e: {  	_ =	shalt  }
0x6f: {  	_ =	shalt  }
0x70: {  	_ =	shalt  }
0x71: {  	_ =	shalt  }
0x72: {  	_ =	shalt  }
0x73: {  	_ =	shalt  }
0x74: {  	_ =	shalt  }
0x75: {  	_ =	shalt  }
0x76: {  	_ =	shalt  }
0x77: {  	_ =	shalt  }
0x78: {  	_ =	shalt  }
0x79: {  	_ =	shalt  }
0x7a: {  	_ =	shalt  }
0x7b: {  	_ =	shalt  }
0x7c: {  	_ =	shalt  }
0x7d: {  	_ =	shalt  }
0x7e: {  	_ =	shalt  }
0x7f: {  	_ =	shalt  }
0x80: {  	_ =	shalt  }
0x81: {  	_ =	shalt  }
0x82: {  	_ =	shalt  }
0x83: {  	_ =	shalt  }
0x84: {  	_ =	shalt  }
0x85: {  	_ =	shalt  }
0x86: {  	_ =	shalt  }
0x87: {  	_ =	shalt  }
.Lfunc_end0:
.L_simem_size_0:
called_computation_lowered:
.L_overlay_start_0:
0x88: {  	s2 =	sld [smem:$0x3FD9]  }
0x89: {  	s3 =	sld [smem:$0x3FFE];
	_ =	sdelay $0x1  }
0x8a: {  	s1 =	srdreg.scid  }
0x8b: {  	s0 =	sand.u32 $0x1, s1  }
0x8c: {  	s14 =	sshll.u32 s0, $0xA;
	s2 =	sadd.s32 s3, s2  }
0x8d: {  	s2 =	sadd.s32 s2, s14  }
0x8e: {  	[smem:$0x3FBA] =	sst s2  }
0x8f: {  	_ = 	snop  }
0x90: {  	s2 =	sld [smem:$0x3FD0];
	_ =	sdelay $0x2  }
0x91: {  	s15 =	simm.s32 $0xA;
	s4 =	simm.s32 $0x10  }
0x92: {  	[smem:s4], [sflag:s15] =	dma.local [hbm:s2], $0x1  }
0x93: {  	_ =	swait.eq [sflag:s15], $0x1  }
0x94: {  	[sflag:s15] =	ssyncset.done $0x0  }
0x95: {  	[sflag:s15] =	ssyncadd.s32 $0xFFFFFFFF  }
0x96: {  	s16 =	sld [smem:$0x10];
	(tm) =	ssettm $0x1  }
0x97: {  	s17 =	sld [smem:$0x3FFB];
	_ =	sdelay $0x3  }
0x98: {  	_ =	strace s17  }
0x99: {  	s3 =	sld [smem:$0x3FFC];
	_ =	sdelay $0x3  }
0x9a: {  	_ =	strace s3  }
0x9b: {  	s3 =	sld [smem:$0x3FFD];
	_ =	sdelay $0x3  }
0x9c: {  	_ =	strace s3  }
0x9d: {  	_ =	strace $0x8FFFFFFF  }
0x9e: {  	s18 =	sld [smem:$0x3FDB];
	_ =	sdelay $0x1  }
0x9f: {  	s19 =	simm.s32 $_scs_section_size  }
0xa0: {  	s5 =	simm.s32 $_size__tile_overlayer_lowered;
	s6 =	simm.s32 $_tile_overlayer_lowered  }
0xa1: {  	s22 =	simm.s32 $0x1BFF;
	s21 =	sshll.u32 s6, $0x1;
	s3 =	sadd.s32 s19, s18  }
0xa2: {  	s7 =	simm.s32 $0x0;
	s20 =	sshll.u32 s5, $0x1;
	s5 =	sadd.s32 s21, s3  }
0xa3: {  	[timem:s7], [sflag:s22] =	dma.local [hbm:s5], s20  }
0xa4: {  	_ =	swait.ge [sflag:s22], s20  }
0xa5: {  	s4 =	ssub.s32 $0x0, s20;
	[sflag:s22] =	ssyncset.done $0x0  }
0xa6: {  	[sflag:s22] =	ssyncadd.s32 s4;
	_ =	sdelay $0x1  }
0xa7: {  	s23 =	simm.s32 $0x1B8B  }
0xa8: {  	_ =	swait.ge [sflag:s23], $0x1  }
0xa9: {  	[sflag:s23] =	ssyncset.done $0x0  }
0xaa: {  	s25 =	simm.s32 $0x1B8E;
	s24 =	sld [smem:$0x3FFE];
	[sflag:s23] =	ssyncadd.s32 $0xFFFFFFFF  }
0xab: {  	s26 =	simm.s32 $execute0_lowered;
	[smem:$0x3FD2] =	sst s25  }
0xac: {  	s5 =	sshll.u32 s26, $0x1;
	_ =	strace $0x80000046;
	[dreg:$0x1] =	wrdreg $0xFFFFFFFF  }
0xad: {  	s28 =	simm.s32 $_size_execute0_lowered;
	s3 =	sadd.s32 s3, s5;
	[dreg:$0x0] =	wrdreg $0x0  }
0xae: {  	s5 =	sshll.u32 s28, $0x1;
	[dreg:$0x2] =	wrdreg s3  }
0xaf: {  	[dreg:$0x3] =	wrdreg s5  }
0xb0: {  	[dreg:$0x4] =	wrdreg $0xC0  }
0xb1: {  	_ =	task [dreg:s7], $0x5FFFF  }
0xb2: {  	[dreg:$0x1] =	wrdreg $0xFFFFFFFF  }
0xb3: {  	[dreg:$0x0] =	wrdreg $0x60  }
0xb4: {  	[dreg:$0x2] =	wrdreg s24  }
0xb5: {  	[dreg:$0x3] =	wrdreg s16  }
0xb6: {  	[dreg:$0x4] =	wrdreg $0x2A800  }
0xb7: {  	[dreg:$0x5] =	wrdreg $0x9  }
0xb8: {  	_ =	task.clear_ibuf [dreg:s7], $0x6FFFF;
	_ =	strace $0x90000046  }
0xb9: {  	s29 =	simm.s32 $0x9;
	_ =	strace $0x80000048  }
0xba: {  	_ =	swait.ge [sflag:s29], $0x1  }
0xbb: {  	[sflag:s29] =	ssyncadd.s32 $0xFFFFFFFF  }
0xbc: {  	_ =	strace $0x90000048  }
0xbd: {  	_ =	sfence  }
0xbe: {  	s30 =	sld [smem:$0x0];
	_ =	sdelay $0x2  }
0xbf: {  	s31 =	sshll.u32 s1, $0xD;
	s1 =	sshrl.u32 s1, $0x2  }
0xc0: {  	s3 =	sand.u32 $0x4000, s31;
	s1 =	sadd.s32 s1, s30  }
0xc1: {  	s0 =	sor.u32 s3, s0;
	s1 =	sshll.u32 s1, $0x11  }
0xc2: {  	s0 =	sor.u32 s1, s0  }
0xc3: {  	s0 =	sadd.s32 $0x8F2B, s0  }
0xc4: {  	[sflag:s0] =	ssyncadd.remote.s32 $0x1  }
0xc5: {  	_ =	sfence.sel $0xFFFF  }
0xc6: {  	[dreg:$0x0] =	wrdreg $0xFFFFFFFF;
	(pc) =	sbr.abs _section_cstart, $3  }
0xc7: {  	[dreg:$0x1] =	wrdreg $0xFFFFFFFF  }
0xc8: {  	_ =	task.clear_ibuf [dreg:s7], $0x2FFFF;
	_ =	strace $0x9FFFFFFF  }
0xc9: {  	(tm) =	ssettm $0x7FFFFFFF  }
tec
execute0_lowered:
.L_overlay_start_1:
0x0: {  	(tag) =	ssettag $0x1  }
0x1: {  	s4 =	rddreg [dreg:$0x0]  }
0x2: {  	s6 =	rddreg [dreg:$0x1]  }
0x3: {  	s2 =	rddreg [dreg:$0x2]  }
0x4: {  	s0 =	rddreg [dreg:$0x3]  }
0x5: {  	s3 =	srdreg.scid;
	s1 =	stileid.u32  }
0x6: {  	s11 =	simm.s32 $0x2780;
	s12 =	simm.s32 $0x0;
	s5 =	sand.u32 $0x1, s3  }
0x7: {  	s7 =	sshll.u32 s1, $0x1;
	s8 =	smul.u32 $0x280, s1;
	s3 =	simm.s32 $0x0  }
0x8: {  	s7 =	sor.u32 s5, s7;
	s9 =	smul.u32 $0x2800, s5;
	s5 =	ssub.s32 $0x2, s5  }
0x9: {  	[smem:$0x7FF] =	sst s3;
	s7 =	smul.u32 $0x4F0, s7;
	s10 =	sshrl.u32 s5, $0x1  }
0xa: {  	_ =	strace $0x80000047;
	s9 =	sadd.s32 s8, s9;
	s10 =	ssub.s32 s5, s10  }
0xb: {  	s7 =	sadd.s32 s7, s4;
	s9 =	sshrl.u32 s9, $0x3;
	s4 =	sadd.s32 s8, s2  }
0xc: {  	s8 =	simm.s32 $0x2800;
	s5 =	sadd.s32 $0x3800, s7;
	s6 =	sadd.s32 s6, s9  }
0xd: {  	v0 =	vimm.f32 $1.000000000e+00;
	v1 =	vimm.f32 $0.0e+00;
	s7 =	smax.u32 s10, $0x1;
	s9 =	simm.s32 $0x1;
	s10 =	simm.s32 $0x80  }
.LBB2_1:
0xe: {  	[tilespmem:$0x2780] =	vst v0  }
0xf: {  	[tilespmem:$0x2790] =	vst v0  }
0x10: {  	[tilespmem:$0x27A0] =	vst v0  }
0x11: {  	[tilespmem:$0x27B0] =	vst v0  }
0x12: {  	[tilespmem:$0x27C0] =	vst v0  }
0x13: {  	[tilespmem:$0x27D0] =	vst v0  }
0x14: {  	[tilespmem:$0x27E0] =	vst v0  }
0x15: {  	[tilespmem:$0x27F0] =	vst v0  }
0x16: {  	[tilespmem:$0x2800] =	vst v1  }
0x17: {  	[tilespmem:$0x2810] =	vst v1  }
0x18: {  	[tilespmem:$0x2820] =	vst v1  }
0x19: {  	[tilespmem:$0x2830] =	vst v1  }
0x1a: {  	[tilespmem:$0x2840] =	vst v1  }
0x1b: {  	[tilespmem:$0x2850] =	vst v1  }
0x1c: {  	[tilespmem:$0x2860] =	vst v1  }
0x1d: {  	[tilespmem:$0x2870] =	vst v1  }
0x1e: {  	[tilespmem:$0x2880] =	vst v1  }
0x1f: {  	[tilespmem:$0x2890] =	vst v1  }
0x20: {  	[tilespmem:$0x28A0] =	vst v1  }
0x21: {  	[tilespmem:$0x28B0] =	vst v1  }
0x22: {  	[tilespmem:$0x28C0] =	vst v1  }
0x23: {  	[tilespmem:$0x28D0] =	vst v1  }
0x24: {  	[tilespmem:$0x28E0] =	vst v1  }
0x25: {  	[tilespmem:$0x28F0] =	vst v1  }
0x26: {  	[tilespmem:$0x2900] =	vst v1  }
0x27: {  	[tilespmem:$0x2910] =	vst v1  }
0x28: {  	[tilespmem:$0x2920] =	vst v1  }
0x29: {  	[tilespmem:$0x2930] =	vst v1  }
0x2a: {  	[tilespmem:$0x2940] =	vst v1  }
0x2b: {  	[tilespmem:$0x2950] =	vst v1  }
0x2c: {  	[tilespmem:$0x2960] =	vst v1  }
0x2d: {  	[tilespmem:$0x2970] =	vst v1  }
0x2e: {  	[tilespmem:$0x2980] =	vst v1  }
0x2f: {  	[tilespmem:$0x2990] =	vst v1  }
0x30: {  	[tilespmem:$0x29A0] =	vst v1  }
0x31: {  	[tilespmem:$0x29B0] =	vst v1  }
0x32: {  	[tilespmem:$0x29C0] =	vst v1  }
0x33: {  	[tilespmem:$0x29D0] =	vst v1  }
0x34: {  	[tilespmem:$0x29E0] =	vst v1  }
0x35: {  	[tilespmem:$0x29F0] =	vst v1  }
0x36: {  	[tilespmem:$0x2A00] =	vst v1  }
0x37: {  	[tilespmem:$0x2A10] =	vst v1  }
0x38: {  	[tilespmem:$0x2A20] =	vst v1  }
0x39: {  	[tilespmem:$0x2A30] =	vst v1  }
0x3a: {  	[tilespmem:$0x2A40] =	vst v1  }
0x3b: {  	[tilespmem:$0x2A50] =	vst v1  }
0x3c: {  	[tilespmem:$0x2A60] =	vst v1  }
0x3d: {  	[tilespmem:$0x2A70] =	vst v1  }
0x3e: {  	[spmem:s4] =	stream.linear.scatter [tilespmem:s8], [sflag:$0x1], $0x280, $0x38;
	[tilespmem:$0x2D00] =	vst v63  }
0x3f: {  	_ =	swait.ge [sflag:s9], $0x280  }
0x40: {  	[sflag:s9] =	ssyncset.done $0x0  }
0x41: {  	[sflag:s9] =	ssyncadd.s32 $0xFFFFFD80  }
0x42: {  	[tilespmem:s3], [sflag:$0x1] =	stream.linear.gather [hbm4b:s5+s3], $0x2780, $0x38;
	[tilespmem:$0x2D00] =	vst v63  }
0x43: {  	_ =	swait.ge [sflag:s9], $0x2780  }
0x44: {  	[sflag:s9] =	ssyncset.done $0x0  }
0x45: {  	[sflag:s9] =	ssyncadd.s32 $0xFFFFD880  }
0x46: {  	s13 =	simm.s32 $0x0;
	[bflag:$0x0] =	sbarrier.arrive $0xFFFF  }
0x47: {  	[spmem:s2] =	stream.indirect.scatter.add.f32 [tilespmem:s11], [sflag:$0x1], $0x1, s13, s10, $0xb8;
	[tilespmem:$0x2D00] =	vst v63  }
0x48: {  	_ =	swait.ge [sflag:s9], $0x80  }
0x49: {  	s13 =	simm.s32 $0x200;
	[sflag:s9] =	ssyncset.done $0x0  }
.LBB2_2:
0x4a: {  	s14 =	sshra.s32 s13, $0x2;
	[sflag:s9] =	ssyncadd.s32 $0xFFFFFF80;
	p0 =	sne.s32 s13, $0x9C00  }
0x4b: {  	[spmem:s2] =	stream.indirect.scatter.add.f32 [tilespmem:s11], [sflag:$0x1], $0x1, s14, s10, $0xb8;
	[tilespmem:$0x2D00] =	vst v63  }
.Ltmp0:
0x4c: {  	_ = 	snop;
	(pc) =	sbr.rel @p0 .LBB2_2-.Ltmp0, $4  }
0x4d: {  	_ = 	snop  }
0x4e: {  	s13 =	sadd.s32 $0x200, s13  }
0x4f: {  	_ =	swait.ge [sflag:s9], $0x80  }
0x50: {  	[sflag:s9] =	ssyncset.done $0x0  }
0x51: {  	[sflag:s9] =	ssyncadd.s32 $0xFFFFFF80  }
0x52: {  	[bflag:$0x0] =	sbarrier.arrive $0xFFFF  }
0x53: {  	[tilespmem:s8], [sflag:$0x1] =	stream.linear.gather [spmem:s4], $0x280, $0x38;
	[tilespmem:$0x2D00] =	vst v63  }
0x54: {  	s12 =	sadd.s32 $0x1, s12;
	_ =	swait.ge [sflag:s9], $0x280  }
0x55: {  	p0 =	sne.s32 s12, s7;
	[sflag:s9] =	ssyncset.done $0x0  }
.Ltmp1:
0x56: {  	[sflag:s9] =	ssyncadd.s32 $0xFFFFFD80;
	(pc) =	sbr.rel @p0 .LBB2_1-.Ltmp1, $4  }
0x57: {  	[hbm4b:s6+s3] =	stream.linear.scatter [tilespmem:s8], [sflag:$0x1], $0x280, $0x38;
	[tilespmem:$0x2D00] =	vst v63  }
0x58: {  	_ =	swait.ge [sflag:s9], $0x280  }
0x59: {  	[sflag:s9] =	ssyncset.done $0x0  }
0x5a: {  	[sflag:s9] =	ssyncadd.s32 $0xFFFFFD80  }
0x5b: {  	_ =	sfence.sel $0x180000  }
0x5c: {  	[bflag:$0x0] =	sbarrier.arrive $0xFFFF  }
0x5d: {  	p0 =	sne.s32 s1, $0x0;
	_ =	strace $0x90000047  }
0x5e: {  	s0 =	sadd.s32 @!p0 $0x100000, s0;
	[bflag:$0x2] =	sbarrier.arrive $0xFFFF  }
0x5f: {  	[sflag:s0] =	ssyncadd.tile.s32 @!p0 $0x1;
	_ =	shalt  }
.Lfunc_end2:
_tile_overlayer_lowered:
.L_overlay_start_2:
0x60: {  	(tag) =	ssettag $0x2  }
0x61: {  	s0 =	rddreg [dreg:$0x0];
	s2 =	stileid.u32  }
0x62: {  	s1 =	rddreg [dreg:$0x1];
	p0 =	sne.s32 s2, $0x0  }
0x63: {  	s3 =	rddreg [dreg:$0x2];
	[bflag:$0x3] =	sbarrier.arrive $0xFFFF;
	s2 =	simm.s32 @!p0 $0x1C01  }
0x64: {  	[timem:s3], [sflag:s2] =	dma.local @!p0 [hbm:s0], s1  }
0x65: {  	s0 =	simm.s32 @!p0 $0x1  }
0x66: {  	_ =	swait.ge @!p0 [sflag:s0], s1  }
0x67: {  	s1 =	ssub.s32 @!p0 $0x0, s1;
	[sflag:s0] =	ssyncset.done @!p0 $0x0  }
0x68: {  	[sflag:s0] =	ssyncadd.s32 @!p0 s1  }
0x69: {  	[bflag:$0x3] =	sbarrier.arrive $0xFFFF  }
0x6a: {  	_ =	shalt  }

// kernel: kernel.9.cloned.1.call-start
scs
__scs_entry_jumppad:
0x0: {  	(pc) =	sbr.rel $0x88, $3  }
0x1: {  	(tag) =	ssettag $0x0;
	lr =	simm.s32 $0x1  }
0x2: {  	[smem:$0x3F93] =	sst lr;
	_ =	strace $0xD0000000  }
0x3: {  	_ = 	snop  }
0x4: {  	_ = 	snop  }
0x5: {  	_ = 	snop  }
0x6: {  	_ = 	snop  }
0x7: {  	_ = 	snop  }
__scs_overlays_trampoline_lowered:
0x8: {  	[smem:$0x3FA2] =	sst s0  }
0x9: {  	[smem:$0x3FA3] =	sst s1  }
0xa: {  	[smem:$0x3FA4] =	sst s2  }
0xb: {  	[smem:$0x3FA5] =	sst s3  }
0xc: {  	[smem:$0x3FA6] =	sst s4  }
0xd: {  	[smem:$0x3FA7] =	sst s5  }
0xe: {  	[smem:$0x3FA8] =	sst s6  }
0xf: {  	[smem:$0x3FA9] =	sst s7  }
0x10: {  	[smem:$0x3FAA] =	sst s8  }
0x11: {  	[smem:$0x3FAB] =	sst s9;
	s0 =	simm.s32 @!p0 $0x0  }
0x12: {  	s1 =	sld [smem:$0x3F91];
	s0 =	simm.s32 @p0 $0x1  }
0x13: {  	[smem:$0x3FAC] =	sst s0;
	s0 =	simm.s32 @!p1 $0x0  }
0x14: {  	s2 =	sld [smem:$0x3F90];
	s0 =	simm.s32 @p1 $0x1  }
0x15: {  	[smem:$0x3FAD] =	sst s0;
	s0 =	simm.s32 @!p2 $0x0  }
0x16: {  	s3 =	sld [smem:$0x3FDB];
	s0 =	simm.s32 @p2 $0x1  }
0x17: {  	s4 =	simm.s32 $0x1BF5;
	[smem:$0x3FAF] =	sst s0  }
0x18: {  	s0 =	sld [smem:$0x3F92];
	_ =	swait.ge [sflag:s4], $0x0  }
0x19: {  	s7 =	sld [smem:$0x3F93]  }
0x1a: {  	s8 =	sadd.s32 $0xFFFFE003, lr  }
0x1b: {  	s9 =	sadd.s32 $0xFFFFFEF7, lr;
	s5 =	simm.s32 $0xFFFFFFFF;
	p2 =	slt.u32 s8, $0xFFFFF086  }
0x1c: {  	p1 =	slt.u32 s9, $0xF7A;
	s5 =	simm.s32 @!p2 $0x0  }
0x1d: {  	s5 =	simm.s32 @p1 $0x1;
	p0 =	seq.s32 s7, s2  }
0x1e: {  	s7 =	smul.u32 @!p0 $0xF7A, s2;
	p2 =	seq.s32 @!p0 s5, $0x0  }
0x1f: {  	s9 =	smul.u32 $0xF7A, s1;
	s8 =	simm.s32 @!p0 $0x1BF5;
	p2 =	por !p2, p0  }
0x20: {  	[sflag:s8] =	ssyncset.s32 @!p0 $0xFFFFF086;
	s6 =	sadd.s32 @!p0 s3, s7;
	s7 =	simm.s32 @!p0 $0x108  }
0x21: {  	s3 =	sadd.s32 s3, s9;
	s6 =	sadd.s32 @!p0 $0x88, s6;
	s7 =	simm.s32 @p2 $0x1082  }
0x22: {  	[simem:s7], [sflag:s8] =	dma.local @!p0 [hbm:s6], $0xF7A  }
0x23: {  	s9 =	sor.u32 $0xD0000000, s2;
	s6 =	simm.s32 $0x108;
	_ =	swait.ge @!p0 [sflag:s8], $0x0  }
0x24: {  	s3 =	sadd.s32 $0x88, s3;
	s6 =	simm.s32 @!p1 $0x1082;
	[sflag:s4] =	ssyncset.s32 $0xFFFFF086  }
0x25: {  	[simem:s6], [sflag:s4] =	dma.local [hbm:s3], $0xF7A  }
0x26: {  	[smem:$0x3F93] =	sst s1;
	(tag) =	ssettag s2;
	_ =	strace s9  }
0x27: {  	s1 =	sld [smem:$0x3FA3]  }
0x28: {  	s2 =	sld [smem:$0x3FA4]  }
0x29: {  	s4 =	sld [smem:$0x3FA6]  }
0x2a: {  	p0 =	seq.s32 s5, $0x0;
	s5 =	sld [smem:$0x3FA7]  }
0x2b: {  	s6 =	sld [smem:$0x3FA8]  }
0x2c: {  	s7 =	sld [smem:$0x3FA9]  }
0x2d: {  	s3 =	simm.s32 $0x108;
	s8 =	sld [smem:$0x3FAA]  }
0x2e: {  	s3 =	simm.s32 @!p0 $0x1082;
	s9 =	sld [smem:$0x3FAB]  }
0x2f: {  	lr =	sadd.s32 s0, s3;
	s0 =	sld [smem:$0x3FA2]  }
0x30: {  	s3 =	sld [smem:$0x3FA5]  }
0x31: {  	[smem:$0x3FAE] =	sst s10  }
0x32: {  	s10 =	sld [smem:$0x3FAC];
	_ =	sdelay $0x3  }
0x33: {  	p0 =	seq.s32 s10, $0x1;
	s10 =	sld [smem:$0x3FAE];
	_ =	sdelay $0x3  }
0x34: {  	[smem:$0x3FAE] =	sst s10  }
0x35: {  	s10 =	sld [smem:$0x3FAD];
	_ =	sdelay $0x3  }
0x36: {  	p1 =	seq.s32 s10, $0x1;
	s10 =	sld [smem:$0x3FAE];
	_ =	sdelay $0x3  }
0x37: {  	[smem:$0x3FAE] =	sst s10  }
0x38: {  	s10 =	sld [smem:$0x3FAF]  }
0x39: {  	_ = 	snop;
	(pc) =	sbr.ind lr, $3  }
0x3a: {  	_ = 	snop  }
0x3b: {  	_ = 	snop  }
0x3c: {  	p2 =	seq.s32 s10, $0x1;
	s10 =	sld [smem:$0x3FAE]  }
0x3d: {  	_ =	shalt  }
0x3e: {  	_ =	shalt  }
0x3f: {  	_ =	shalt  }
0x40: {  	_ =	shalt  }
0x41: {  	_ =	shalt  }
0x42: {  	_ =	shalt  }
0x43: {  	_ =	shalt  }
0x44: {  	_ =	shalt  }
0x45: {  	_ =	shalt  }
0x46: {  	_ =	shalt  }
0x47: {  	_ =	shalt  }
0x48: {  	_ =	shalt  }
0x49: {  	_ =	shalt  }
0x4a: {  	_ =	shalt  }
0x4b: {  	_ =	shalt  }
0x4c: {  	_ =	shalt  }
0x4d: {  	_ =	shalt  }
0x4e: {  	_ =	shalt  }
0x4f: {  	_ =	shalt  }
0x50: {  	_ =	shalt  }
0x51: {  	_ =	shalt  }
0x52: {  	_ =	shalt  }
0x53: {  	_ =	shalt  }
0x54: {  	_ =	shalt  }
0x55: {  	_ =	shalt  }
0x56: {  	_ =	shalt  }
0x57: {  	_ =	shalt  }
0x58: {  	_ =	shalt  }
0x59: {  	_ =	shalt  }
0x5a: {  	_ =	shalt  }
0x5b: {  	_ =	shalt  }
0x5c: {  	_ =	shalt  }
0x5d: {  	_ =	shalt  }
0x5e: {  	_ =	shalt  }
0x5f: {  	_ =	shalt  }
0x60: {  	_ =	shalt  }
0x61: {  	_ =	shalt  }
0x62: {  	_ =	shalt  }
0x63: {  	_ =	shalt  }
0x64: {  	_ =	shalt  }
0x65: {  	_ =	shalt  }
0x66: {  	_ =	shalt  }
0x67: {  	_ =	shalt  }
0x68: {  	_ =	shalt  }
0x69: {  	_ =	shalt  }
0x6a: {  	_ =	shalt  }
0x6b: {  	_ =	shalt  }
0x6c: {  	_ =	shalt  }
0x6d: {  	_ =	shalt  }
0x6e: {  	_ =	shalt  }
0x6f: {  	_ =	shalt  }
0x70: {  	_ =	shalt  }
0x71: {  	_ =	shalt  }
0x72: {  	_ =	shalt  }
0x73: {  	_ =	shalt  }
0x74: {  	_ =	shalt  }
0x75: {  	_ =	shalt  }
0x76: {  	_ =	shalt  }
0x77: {  	_ =	shalt  }
0x78: {  	_ =	shalt  }
0x79: {  	_ =	shalt  }
0x7a: {  	_ =	shalt  }
0x7b: {  	_ =	shalt  }
0x7c: {  	_ =	shalt  }
0x7d: {  	_ =	shalt  }
0x7e: {  	_ =	shalt  }
0x7f: {  	_ =	shalt  }
0x80: {  	_ =	shalt  }
0x81: {  	_ =	shalt  }
0x82: {  	_ =	shalt  }
0x83: {  	_ =	shalt  }
0x84: {  	_ =	shalt  }
0x85: {  	_ =	shalt  }
0x86: {  	_ =	shalt  }
0x87: {  	_ =	shalt  }
.Lfunc_end0:
.L_simem_size_0:
called_computation.1_lowered:
.L_overlay_start_0:
0x88: {  	s2 =	sld [smem:$0x3FD9]  }
0x89: {  	s3 =	sld [smem:$0x3FFE];
	_ =	sdelay $0x1  }
0x8a: {  	s1 =	srdreg.scid  }
0x8b: {  	s0 =	sand.u32 $0x1, s1  }
0x8c: {  	s14 =	sshll.u32 s0, $0xA;
	s2 =	sadd.s32 s3, s2  }
0x8d: {  	s2 =	sadd.s32 s2, s14  }
0x8e: {  	[smem:$0x3FBA] =	sst s2  }
0x8f: {  	_ = 	snop  }
0x90: {  	s2 =	sld [smem:$0x3FD0];
	_ =	sdelay $0x2  }
0x91: {  	s15 =	simm.s32 $0xA;
	s4 =	simm.s32 $0x10  }
0x92: {  	[smem:s4], [sflag:s15] =	dma.local [hbm:s2], $0x1  }
0x93: {  	_ =	swait.eq [sflag:s15], $0x1  }
0x94: {  	[sflag:s15] =	ssyncset.done $0x0  }
0x95: {  	s16 =	sld [smem:$0x10];
	[sflag:s15] =	ssyncadd.s32 $0xFFFFFFFF  }
0x96: {  	s17 =	sld [smem:$0x11];
	(tm) =	ssettm $0x1  }
0x97: {  	s18 =	sld [smem:$0x3FFB];
	_ =	sdelay $0x3  }
0x98: {  	_ =	strace s18  }
0x99: {  	s4 =	sld [smem:$0x3FFC];
	_ =	sdelay $0x3  }
0x9a: {  	_ =	strace s4  }
0x9b: {  	s4 =	sld [smem:$0x3FFD];
	_ =	sdelay $0x3  }
0x9c: {  	_ =	strace s4  }
0x9d: {  	_ =	strace $0x8FFFFFFF  }
0x9e: {  	s19 =	sld [smem:$0x3FDB];
	_ =	sdelay $0x1  }
0x9f: {  	s5 =	simm.s32 $_scs_section_size  }
0xa0: {  	s6 =	simm.s32 $_size__tile_overlayer_lowered;
	s7 =	simm.s32 $_tile_overlayer_lowered  }
0xa1: {  	s22 =	simm.s32 $0x1BFF;
	s21 =	sshll.u32 s7, $0x1;
	s4 =	sadd.s32 s5, s19  }
0xa2: {  	s8 =	simm.s32 $0x0;
	s20 =	sshll.u32 s6, $0x1;
	s6 =	sadd.s32 s21, s4  }
0xa3: {  	[timem:s8], [sflag:s22] =	dma.local [hbm:s6], s20  }
0xa4: {  	_ =	swait.ge [sflag:s22], s20  }
0xa5: {  	s5 =	ssub.s32 $0x0, s20;
	[sflag:s22] =	ssyncset.done $0x0  }
0xa6: {  	[sflag:s22] =	ssyncadd.s32 s5;
	_ =	sdelay $0x1  }
0xa7: {  	s23 =	simm.s32 $0x1B8B  }
0xa8: {  	_ =	swait.ge [sflag:s23], $0x1  }
0xa9: {  	[sflag:s23] =	ssyncset.done $0x0  }
0xaa: {  	s25 =	simm.s32 $0x1B8E;
	s24 =	sld [smem:$0x3FFE];
	[sflag:s23] =	ssyncadd.s32 $0xFFFFFFFF  }
0xab: {  	s26 =	simm.s32 $execute0_lowered;
	[smem:$0x3FD2] =	sst s25  }
0xac: {  	s6 =	sshll.u32 s26, $0x1;
	_ =	strace $0x80000049;
	[dreg:$0x1] =	wrdreg $0xFFFFFFFF  }
0xad: {  	s28 =	simm.s32 $_size_execute0_lowered;
	s4 =	sadd.s32 s4, s6;
	[dreg:$0x0] =	wrdreg $0x0  }
0xae: {  	s6 =	sshll.u32 s28, $0x1;
	[dreg:$0x2] =	wrdreg s4  }
0xaf: {  	[dreg:$0x3] =	wrdreg s6  }
0xb0: {  	[dreg:$0x4] =	wrdreg $0xC0  }
0xb1: {  	_ =	task [dreg:s8], $0x5FFFF  }
0xb2: {  	[dreg:$0x1] =	wrdreg $0xFFFFFFFF  }
0xb3: {  	[dreg:$0x0] =	wrdreg $0x60  }
0xb4: {  	[dreg:$0x2] =	wrdreg s24  }
0xb5: {  	[dreg:$0x3] =	wrdreg s16  }
0xb6: {  	[dreg:$0x4] =	wrdreg s17  }
0xb7: {  	[dreg:$0x5] =	wrdreg $0xAF000  }
0xb8: {  	[dreg:$0x6] =	wrdreg $0x9  }
0xb9: {  	_ =	task.clear_ibuf [dreg:s8], $0x7FFFF;
	_ =	strace $0x90000049  }
0xba: {  	s29 =	simm.s32 $0x9;
	_ =	strace $0x8000004B  }
0xbb: {  	_ =	swait.ge [sflag:s29], $0x1  }
0xbc: {  	[sflag:s29] =	ssyncadd.s32 $0xFFFFFFFF  }
0xbd: {  	_ =	strace $0x9000004B  }
0xbe: {  	_ =	sfence  }
0xbf: {  	s30 =	sld [smem:$0x0];
	_ =	sdelay $0x2  }
0xc0: {  	s31 =	sshll.u32 s1, $0xD;
	s1 =	sshrl.u32 s1, $0x2  }
0xc1: {  	s3 =	sand.u32 $0x4000, s31;
	s1 =	sadd.s32 s1, s30  }
0xc2: {  	s0 =	sor.u32 s3, s0;
	s1 =	sshll.u32 s1, $0x11  }
0xc3: {  	s0 =	sor.u32 s1, s0  }
0xc4: {  	s0 =	sadd.s32 $0x8F2B, s0  }
0xc5: {  	[sflag:s0] =	ssyncadd.remote.s32 $0x1  }
0xc6: {  	_ =	sfence.sel $0xFFFF  }
0xc7: {  	[dreg:$0x0] =	wrdreg $0xFFFFFFFF;
	(pc) =	sbr.abs _section_cstart, $3  }
0xc8: {  	[dreg:$0x1] =	wrdreg $0xFFFFFFFF  }
0xc9: {  	_ =	task.clear_ibuf [dreg:s8], $0x2FFFF;
	_ =	strace $0x9FFFFFFF  }
0xca: {  	(tm) =	ssettm $0x7FFFFFFF  }
0xcb: {  	_ =	shalt  }
tec
execute0_lowered:
.L_overlay_start_1:
0x0: {  	(tag) =	ssettag $0x1  }
0x1: {  	s8 =	rddreg [dreg:$0x0]  }
0x2: {  	s11 =	rddreg [dreg:$0x1]  }
0x3: {  	s12 =	rddreg [dreg:$0x2]  }
0x4: {  	s1 =	rddreg [dreg:$0x3]  }
0x5: {  	s0 =	rddreg [dreg:$0x4];
	s3 =	simm.s32 $0x0  }
0x6: {  	s4 =	srdreg.scid;
	s2 =	stileid.u32;
	s17 =	simm.s32 $0x2780  }
0x7: {  	s18 =	simm.s32 $0x5F00;
	s19 =	simm.s32 $0x80;
	s20 =	simm.s32 $0x4F00  }
0x8: {  	s21 =	simm.s32 $0x1;
	s22 =	simm.s32 $0x0;
	[smem:$0x7FF] =	sst s3  }
0x9: {  	s7 =	sand.u32 $0x1, s4;
	s10 =	smul.u32 $0x5000, s2;
	s4 =	sadd.s32 $0xD1200, s8  }
0xa: {  	s9 =	sshll.u32 s2, $0x1;
	s5 =	sadd.s32 $0xC7400, s8;
	s6 =	sadd.s32 $0xBD600, s8  }
0xb: {  	s13 =	smul.u32 $0x50000, s7;
	s9 =	sor.u32 s7, s9;
	s14 =	ssub.s32 $0x2, s7  }
0xc: {  	_ =	strace $0x8000004A;
	s9 =	smul.u32 $0x4F0, s9;
	s15 =	sshrl.u32 s14, $0x1  }
0xd: {  	s7 =	sadd.s32 $0xB3800, s8;
	s13 =	sadd.s32 s10, s13;
	s15 =	ssub.s32 s14, s15  }
0xe: {  	s10 =	sadd.s32 s10, s1;
	s13 =	sshrl.u32 s13, $0x3;
	s9 =	sadd.s32 s9, s8  }
0xf: {  	s15 =	smax.u32 s15, $0x1;
	s16 =	sadd.s32 s13, s8;
	s8 =	sadd.s32 $0xD600, s9  }
0x10: {  	s9 =	sadd.s32 $0x3800, s9;
	s11 =	sadd.s32 s11, s13;
	s12 =	sadd.s32 s12, s13  }
0x11: {  	v0 =	vimm.f32 $0.0e+00;
	s13 =	sadd.s32 $0xDB000, s16;
	s14 =	sadd.s32 $0xEF000, s16;
	s16 =	simm.s32 $0x2  }
.LBB2_1:
0x12: {  	[tilespmem:s3], [sflag:$0x2] =	stream.linear.gather [hbm4b:s8+s3], $0x2780, $0x38;
	[tilespmem:$0xFF00] =	vst v63  }
0x13: {  	_ =	swait.ge [sflag:s16], $0x2780  }
0x14: {  	[sflag:s16] =	ssyncset.done $0x0  }
0x15: {  	[sflag:s16] =	ssyncadd.s32 $0xFFFFD880  }
0x16: {  	[tilespmem:s17], [sflag:$0x2] =	stream.linear.gather [hbm4b:s9+s3], $0x2780, $0x38;
	[tilespmem:$0xFF00] =	vst v63  }
0x17: {  	_ =	swait.ge [sflag:s16], $0x2780  }
0x18: {  	[sflag:s16] =	ssyncset.done $0x0  }
0x19: {  	s23 =	simm.s32 $0x80;
	s24 =	simm.s32 $0x0;
	[sflag:s16] =	ssyncadd.s32 $0xFFFFD880  }
.LBB2_2:
0x1a: {  	p0 =	sne.s32 s23, $0x13F80;
	[tilespmem:s24+$0x5F00] =	vst v0;
	s25 =	smov.u32 s23;
	s23 =	sadd.s32 $0x80, s23  }
.Ltmp0:
0x1b: {  	[tilespmem:s24+$0x5F10] =	vst v0;
	(pc) =	sbr.rel @p0 .LBB2_2-.Ltmp0, $2  }
0x1c: {  	_ =	sdelay $0x2  }
0x1d: {  	s24 =	sshra.s32 s25, $0x2  }
0x1e: {  	[tilespmem:s24+$0x5F00] =	vst v0  }
0x1f: {  	[tilespmem:s24+$0x5F10] =	vst v0  }
0x20: {  	[spmem:s10] =	stream.linear.scatter [tilespmem:s18], [sflag:$0x2], $0x5000, $0x38;
	[tilespmem:$0xFF00] =	vst v63  }
0x21: {  	_ =	swait.ge [sflag:s16], $0x5000  }
0x22: {  	[sflag:s16] =	ssyncset.done $0x0  }
0x23: {  	[sflag:s16] =	ssyncadd.s32 $0xFFFFB000  }
0x24: {  	s23 =	simm.s32 $0x0;
	[bflag:$0x0] =	sbarrier.arrive $0xFFFF  }
0x25: {  	[tilespmem:s20], [sflag:$0x1] =	stream.indirect.gather [hbm4b:s4+s19], $0x20, s23, s19, $0xb8;
	[tilespmem:$0xFF00] =	vst v63  }
0x26: {  	_ =	swait.ge [sflag:s21], $0x1000  }
0x27: {  	[sflag:s21] =	ssyncset.done $0x0  }
0x28: {  	s31 =	simm.s32 $0x2780;
	[sflag:s21] =	ssyncadd.s32 $0xFFFFF000  }
0x29: {  	[spmem:s1] =	stream.indirect.scatter.add.f32 [tilespmem:s20], [sflag:$0x2], $0x20, s31, s19, $0xb8;
	[tilespmem:$0xFF00] =	vst v63  }
0x2a: {  	_ =	swait.ge [sflag:s16], $0x1000  }
0x2b: {  	s24 =	simm.s32 $0x400;
	s23 =	simm.s32 $0x200;
	[sflag:s16] =	ssyncset.done $0x0  }
.LBB2_4:
0x2c: {  	s25 =	sshra.s32 s23, $0x2  }
0x2d: {  	[sflag:s16] =	ssyncadd.s32 $0xFFFFF000;
	s23 =	smov.u32 s24;
	s26 =	sadd.s32 $0x200, s24  }
0x2e: {  	[tilespmem:s20], [sflag:$0x1] =	stream.indirect.gather [hbm4b:s4+s19], $0x20, s25, s19, $0xb8;
	[tilespmem:$0xFF00] =	vst v63  }
0x2f: {  	p0 =	sne.s32 s24, $0x9C00;
	_ =	swait.ge [sflag:s21], $0x1000  }
.Ltmp1:
0x30: {  	[sflag:s21] =	ssyncset.done $0x0;
	(pc) =	sbr.rel @p0 .LBB2_4-.Ltmp1, $4  }
0x31: {  	s24 =	sadd.s32 $0x2780, s25;
	[sflag:s21] =	ssyncadd.s32 $0xFFFFF000  }
0x32: {  	[spmem:s1] =	stream.indirect.scatter.add.f32 [tilespmem:s20], [sflag:$0x2], $0x20, s24, s19, $0xb8;
	[tilespmem:$0xFF00] =	vst v63  }
0x33: {  	_ =	swait.ge [sflag:s16], $0x1000  }
0x34: {  	s24 =	smov.u32 s26;
	[sflag:s16] =	ssyncset.done $0x0  }
0x35: {  	s23 =	sshra.s32 s23, $0x2;
	[sflag:s16] =	ssyncadd.s32 $0xFFFFF000  }
0x36: {  	[tilespmem:s20], [sflag:$0x1] =	stream.indirect.gather [hbm4b:s4+s19], $0x20, s23, s19, $0xb8;
	[tilespmem:$0xFF00] =	vst v63  }
0x37: {  	_ =	swait.ge [sflag:s21], $0x1000  }
0x38: {  	[sflag:s21] =	ssyncset.done $0x0  }
0x39: {  	s23 =	sadd.s32 $0x2780, s23;
	[sflag:s21] =	ssyncadd.s32 $0xFFFFF000  }
0x3a: {  	[spmem:s1] =	stream.indirect.scatter.add.f32 [tilespmem:s20], [sflag:$0x2], $0x20, s23, s19, $0xb8;
	[tilespmem:$0xFF00] =	vst v63  }
0x3b: {  	_ =	swait.ge [sflag:s16], $0x1000  }
0x3c: {  	[sflag:s16] =	ssyncset.done $0x0  }
0x3d: {  	[sflag:s16] =	ssyncadd.s32 $0xFFFFF000  }
0x3e: {  	[bflag:$0x0] =	sbarrier.arrive $0xFFFF  }
0x3f: {  	[tilespmem:s18], [sflag:$0x2] =	stream.linear.gather [spmem:s10], $0x5000, $0x38;
	[tilespmem:$0xFF00] =	vst v63  }
0x40: {  	_ =	swait.ge [sflag:s16], $0x5000  }
0x41: {  	[sflag:s16] =	ssyncset.done $0x0  }
0x42: {  	s31 =	simm.s32 $0x0;
	[sflag:s16] =	ssyncadd.s32 $0xFFFFB000  }
0x43: {  	[hbm4b:s11+s31] =	stream.linear.scatter [tilespmem:s18], [sflag:$0x2], $0x5000, $0x38;
	[tilespmem:$0xFF00] =	vst v63  }
0x44: {  	_ =	swait.ge [sflag:s16], $0x5000  }
0x45: {  	[sflag:s16] =	ssyncset.done $0x0  }
0x46: {  	s24 =	simm.s32 $0x0;
	s23 =	simm.s32 $0x80;
	[sflag:s16] =	ssyncadd.s32 $0xFFFFB000  }
.LBB2_6:
0x47: {  	p0 =	sne.s32 s23, $0x13F80;
	[tilespmem:s24+$0x5F00] =	vst v0;
	s25 =	smov.u32 s23;
	s23 =	sadd.s32 $0x80, s23  }
.Ltmp2:
0x48: {  	[tilespmem:s24+$0x5F10] =	vst v0;
	(pc) =	sbr.rel @p0 .LBB2_6-.Ltmp2, $2  }
0x49: {  	_ =	sdelay $0x2  }
0x4a: {  	s24 =	sshra.s32 s25, $0x2  }
0x4b: {  	[tilespmem:s24+$0x5F00] =	vst v0  }
0x4c: {  	[tilespmem:s24+$0x5F10] =	vst v0  }
0x4d: {  	[spmem:s10] =	stream.linear.scatter [tilespmem:s18], [sflag:$0x2], $0x5000, $0x38;
	[tilespmem:$0xFF00] =	vst v63  }
0x4e: {  	_ =	swait.ge [sflag:s16], $0x5000  }
0x4f: {  	[sflag:s16] =	ssyncset.done $0x0  }
0x50: {  	[sflag:s16] =	ssyncadd.s32 $0xFFFFB000  }
0x51: {  	s23 =	simm.s32 $0x0;
	[bflag:$0x0] =	sbarrier.arrive $0xFFFF  }
0x52: {  	[tilespmem:s20], [sflag:$0x1] =	stream.indirect.gather [hbm4b:s5+s19], $0x20, s23, s19, $0xb8;
	[tilespmem:$0xFF00] =	vst v63  }
0x53: {  	_ =	swait.ge [sflag:s21], $0x1000  }
0x54: {  	[sflag:s21] =	ssyncset.done $0x0  }
0x55: {  	s31 =	simm.s32 $0x2780;
	[sflag:s21] =	ssyncadd.s32 $0xFFFFF000  }
0x56: {  	[spmem:s1] =	stream.indirect.scatter.add.f32 [tilespmem:s20], [sflag:$0x2], $0x20, s31, s19, $0xb8;
	[tilespmem:$0xFF00] =	vst v63  }
0x57: {  	_ =	swait.ge [sflag:s16], $0x1000  }
0x58: {  	s24 =	simm.s32 $0x400;
	s23 =	simm.s32 $0x200;
	[sflag:s16] =	ssyncset.done $0x0  }
.LBB2_8:
0x59: {  	s25 =	sshra.s32 s23, $0x2  }
0x5a: {  	[sflag:s16] =	ssyncadd.s32 $0xFFFFF000;
	s23 =	smov.u32 s24;
	s26 =	sadd.s32 $0x200, s24  }
0x5b: {  	[tilespmem:s20], [sflag:$0x1] =	stream.indirect.gather [hbm4b:s5+s19], $0x20, s25, s19, $0xb8;
	[tilespmem:$0xFF00] =	vst v63  }
0x5c: {  	p0 =	sne.s32 s24, $0x9C00;
	_ =	swait.ge [sflag:s21], $0x1000  }
.Ltmp3:
0x5d: {  	[sflag:s21] =	ssyncset.done $0x0;
	(pc) =	sbr.rel @p0 .LBB2_8-.Ltmp3, $4  }
0x5e: {  	s24 =	sadd.s32 $0x2780, s25;
	[sflag:s21] =	ssyncadd.s32 $0xFFFFF000  }
0x5f: {  	[spmem:s1] =	stream.indirect.scatter.add.f32 [tilespmem:s20], [sflag:$0x2], $0x20, s24, s19, $0xb8;
	[tilespmem:$0xFF00] =	vst v63  }
0x60: {  	_ =	swait.ge [sflag:s16], $0x1000  }
0x61: {  	s24 =	smov.u32 s26;
	[sflag:s16] =	ssyncset.done $0x0  }
0x62: {  	s23 =	sshra.s32 s23, $0x2;
	[sflag:s16] =	ssyncadd.s32 $0xFFFFF000  }
0x63: {  	[tilespmem:s20], [sflag:$0x1] =	stream.indirect.gather [hbm4b:s5+s19], $0x20, s23, s19, $0xb8;
	[tilespmem:$0xFF00] =	vst v63  }
0x64: {  	_ =	swait.ge [sflag:s21], $0x1000  }
0x65: {  	[sflag:s21] =	ssyncset.done $0x0  }
0x66: {  	s23 =	sadd.s32 $0x2780, s23;
	[sflag:s21] =	ssyncadd.s32 $0xFFFFF000  }
0x67: {  	[spmem:s1] =	stream.indirect.scatter.add.f32 [tilespmem:s20], [sflag:$0x2], $0x20, s23, s19, $0xb8;
	[tilespmem:$0xFF00] =	vst v63  }
0x68: {  	_ =	swait.ge [sflag:s16], $0x1000  }
0x69: {  	[sflag:s16] =	ssyncset.done $0x0  }
0x6a: {  	[sflag:s16] =	ssyncadd.s32 $0xFFFFF000  }
0x6b: {  	[bflag:$0x0] =	sbarrier.arrive $0xFFFF  }
0x6c: {  	[tilespmem:s18], [sflag:$0x2] =	stream.linear.gather [spmem:s10], $0x5000, $0x38;
	[tilespmem:$0xFF00] =	vst v63  }
0x6d: {  	_ =	swait.ge [sflag:s16], $0x5000  }
0x6e: {  	[sflag:s16] =	ssyncset.done $0x0  }
0x6f: {  	s31 =	simm.s32 $0x0;
	[sflag:s16] =	ssyncadd.s32 $0xFFFFB000  }
0x70: {  	[hbm4b:s12+s31] =	stream.linear.scatter [tilespmem:s18], [sflag:$0x2], $0x5000, $0x38;
	[tilespmem:$0xFF00] =	vst v63  }
0x71: {  	_ =	swait.ge [sflag:s16], $0x5000  }
0x72: {  	[sflag:s16] =	ssyncset.done $0x0  }
0x73: {  	s24 =	simm.s32 $0x0;
	s23 =	simm.s32 $0x80;
	[sflag:s16] =	ssyncadd.s32 $0xFFFFB000  }
.LBB2_10:
0x74: {  	p0 =	sne.s32 s23, $0x13F80;
	[tilespmem:s24+$0x5F00] =	vst v0;
	s25 =	smov.u32 s23;
	s23 =	sadd.s32 $0x80, s23  }
.Ltmp4:
0x75: {  	[tilespmem:s24+$0x5F10] =	vst v0;
	(pc) =	sbr.rel @p0 .LBB2_10-.Ltmp4, $2  }
0x76: {  	_ =	sdelay $0x2  }
0x77: {  	s24 =	sshra.s32 s25, $0x2  }
0x78: {  	[tilespmem:s24+$0x5F00] =	vst v0  }
0x79: {  	[tilespmem:s24+$0x5F10] =	vst v0  }
0x7a: {  	[spmem:s10] =	stream.linear.scatter [tilespmem:s18], [sflag:$0x2], $0x5000, $0x38;
	[tilespmem:$0xFF00] =	vst v63  }
0x7b: {  	_ =	swait.ge [sflag:s16], $0x5000  }
0x7c: {  	[sflag:s16] =	ssyncset.done $0x0  }
0x7d: {  	[sflag:s16] =	ssyncadd.s32 $0xFFFFB000  }
0x7e: {  	s23 =	simm.s32 $0x0;
	[bflag:$0x0] =	sbarrier.arrive $0xFFFF  }
0x7f: {  	[tilespmem:s20], [sflag:$0x1] =	stream.indirect.gather [hbm4b:s6+s19], $0x20, s23, s19, $0xb8;
	[tilespmem:$0xFF00] =	vst v63  }
0x80: {  	_ =	swait.ge [sflag:s21], $0x1000  }
0x81: {  	[sflag:s21] =	ssyncset.done $0x0  }
0x82: {  	s31 =	simm.s32 $0x2780;
	[sflag:s21] =	ssyncadd.s32 $0xFFFFF000  }
0x83: {  	[spmem:s1] =	stream.indirect.scatter.add.f32 [tilespmem:s20], [sflag:$0x2], $0x20, s31, s19, $0xb8;
	[tilespmem:$0xFF00] =	vst v63  }
0x84: {  	_ =	swait.ge [sflag:s16], $0x1000  }
0x85: {  	s24 =	simm.s32 $0x400;
	s23 =	simm.s32 $0x200;
	[sflag:s16] =	ssyncset.done $0x0  }
.LBB2_12:
0x86: {  	s25 =	sshra.s32 s23, $0x2  }
0x87: {  	[sflag:s16] =	ssyncadd.s32 $0xFFFFF000;
	s23 =	smov.u32 s24;
	s26 =	sadd.s32 $0x200, s24  }
0x88: {  	[tilespmem:s20], [sflag:$0x1] =	stream.indirect.gather [hbm4b:s6+s19], $0x20, s25, s19, $0xb8;
	[tilespmem:$0xFF00] =	vst v63  }
0x89: {  	p0 =	sne.s32 s24, $0x9C00;
	_ =	swait.ge [sflag:s21], $0x1000  }
.Ltmp5:
0x8a: {  	[sflag:s21] =	ssyncset.done $0x0;
	(pc) =	sbr.rel @p0 .LBB2_12-.Ltmp5, $4  }
0x8b: {  	s24 =	sadd.s32 $0x2780, s25;
	[sflag:s21] =	ssyncadd.s32 $0xFFFFF000  }
0x8c: {  	[spmem:s1] =	stream.indirect.scatter.add.f32 [tilespmem:s20], [sflag:$0x2], $0x20, s24, s19, $0xb8;
	[tilespmem:$0xFF00] =	vst v63  }
0x8d: {  	_ =	swait.ge [sflag:s16], $0x1000  }
0x8e: {  	s24 =	smov.u32 s26;
	[sflag:s16] =	ssyncset.done $0x0  }
0x8f: {  	s23 =	sshra.s32 s23, $0x2;
	[sflag:s16] =	ssyncadd.s32 $0xFFFFF000  }
0x90: {  	[tilespmem:s20], [sflag:$0x1] =	stream.indirect.gather [hbm4b:s6+s19], $0x20, s23, s19, $0xb8;
	[tilespmem:$0xFF00] =	vst v63  }
0x91: {  	_ =	swait.ge [sflag:s21], $0x1000  }
0x92: {  	[sflag:s21] =	ssyncset.done $0x0  }
0x93: {  	s23 =	sadd.s32 $0x2780, s23;
	[sflag:s21] =	ssyncadd.s32 $0xFFFFF000  }
0x94: {  	[spmem:s1] =	stream.indirect.scatter.add.f32 [tilespmem:s20], [sflag:$0x2], $0x20, s23, s19, $0xb8;
	[tilespmem:$0xFF00] =	vst v63  }
0x95: {  	_ =	swait.ge [sflag:s16], $0x1000  }
0x96: {  	[sflag:s16] =	ssyncset.done $0x0  }
0x97: {  	[sflag:s16] =	ssyncadd.s32 $0xFFFFF000  }
0x98: {  	[bflag:$0x0] =	sbarrier.arrive $0xFFFF  }
0x99: {  	[tilespmem:s18], [sflag:$0x2] =	stream.linear.gather [spmem:s10], $0x5000, $0x38;
	[tilespmem:$0xFF00] =	vst v63  }
0x9a: {  	_ =	swait.ge [sflag:s16], $0x5000  }
0x9b: {  	[sflag:s16] =	ssyncset.done $0x0  }
0x9c: {  	s31 =	simm.s32 $0x0;
	[sflag:s16] =	ssyncadd.s32 $0xFFFFB000  }
0x9d: {  	[hbm4b:s13+s31] =	stream.linear.scatter [tilespmem:s18], [sflag:$0x2], $0x5000, $0x38;
	[tilespmem:$0xFF00] =	vst v63  }
0x9e: {  	_ =	swait.ge [sflag:s16], $0x5000  }
0x9f: {  	[sflag:s16] =	ssyncset.done $0x0  }
0xa0: {  	s24 =	simm.s32 $0x0;
	s23 =	simm.s32 $0x80;
	[sflag:s16] =	ssyncadd.s32 $0xFFFFB000  }
.LBB2_14:
0xa1: {  	p0 =	sne.s32 s23, $0x13F80;
	[tilespmem:s24+$0x5F00] =	vst v0;
	s25 =	smov.u32 s23;
	s23 =	sadd.s32 $0x80, s23  }
.Ltmp6:
0xa2: {  	[tilespmem:s24+$0x5F10] =	vst v0;
	(pc) =	sbr.rel @p0 .LBB2_14-.Ltmp6, $2  }
0xa3: {  	_ =	sdelay $0x2  }
0xa4: {  	s24 =	sshra.s32 s25, $0x2  }
0xa5: {  	[tilespmem:s24+$0x5F00] =	vst v0  }
0xa6: {  	[tilespmem:s24+$0x5F10] =	vst v0  }
0xa7: {  	[spmem:s10] =	stream.linear.scatter [tilespmem:s18], [sflag:$0x2], $0x5000, $0x38;
	[tilespmem:$0xFF00] =	vst v63  }
0xa8: {  	_ =	swait.ge [sflag:s16], $0x5000  }
0xa9: {  	[sflag:s16] =	ssyncset.done $0x0  }
0xaa: {  	[sflag:s16] =	ssyncadd.s32 $0xFFFFB000  }
0xab: {  	s23 =	simm.s32 $0x0;
	[bflag:$0x0] =	sbarrier.arrive $0xFFFF  }
0xac: {  	[tilespmem:s20], [sflag:$0x1] =	stream.indirect.gather [hbm4b:s7+s19], $0x20, s23, s19, $0xb8;
	[tilespmem:$0xFF00] =	vst v63  }
0xad: {  	_ =	swait.ge [sflag:s21], $0x1000  }
0xae: {  	[sflag:s21] =	ssyncset.done $0x0  }
0xaf: {  	s31 =	simm.s32 $0x2780;
	[sflag:s21] =	ssyncadd.s32 $0xFFFFF000  }
0xb0: {  	[spmem:s1] =	stream.indirect.scatter.add.f32 [tilespmem:s20], [sflag:$0x2], $0x20, s31, s19, $0xb8;
	[tilespmem:$0xFF00] =	vst v63  }
0xb1: {  	_ =	swait.ge [sflag:s16], $0x1000  }
0xb2: {  	s24 =	simm.s32 $0x400;
	s23 =	simm.s32 $0x200;
	[sflag:s16] =	ssyncset.done $0x0  }
.LBB2_16:
0xb3: {  	s25 =	sshra.s32 s23, $0x2  }
0xb4: {  	[sflag:s16] =	ssyncadd.s32 $0xFFFFF000;
	s23 =	smov.u32 s24;
	s26 =	sadd.s32 $0x200, s24  }
0xb5: {  	[tilespmem:s20], [sflag:$0x1] =	stream.indirect.gather [hbm4b:s7+s19], $0x20, s25, s19, $0xb8;
	[tilespmem:$0xFF00] =	vst v63  }
0xb6: {  	p0 =	sne.s32 s24, $0x9C00;
	_ =	swait.ge [sflag:s21], $0x1000  }
.Ltmp7:
0xb7: {  	[sflag:s21] =	ssyncset.done $0x0;
	(pc) =	sbr.rel @p0 .LBB2_16-.Ltmp7, $4  }
0xb8: {  	s24 =	sadd.s32 $0x2780, s25;
	[sflag:s21] =	ssyncadd.s32 $0xFFFFF000  }
0xb9: {  	[spmem:s1] =	stream.indirect.scatter.add.f32 [tilespmem:s20], [sflag:$0x2], $0x20, s24, s19, $0xb8;
	[tilespmem:$0xFF00] =	vst v63  }
0xba: {  	_ =	swait.ge [sflag:s16], $0x1000  }
0xbb: {  	s24 =	smov.u32 s26;
	[sflag:s16] =	ssyncset.done $0x0  }
0xbc: {  	s23 =	sshra.s32 s23, $0x2;
	[sflag:s16] =	ssyncadd.s32 $0xFFFFF000  }
0xbd: {  	[tilespmem:s20], [sflag:$0x1] =	stream.indirect.gather [hbm4b:s7+s19], $0x20, s23, s19, $0xb8;
	[tilespmem:$0xFF00] =	vst v63  }
0xbe: {  	_ =	swait.ge [sflag:s21], $0x1000  }
0xbf: {  	[sflag:s21] =	ssyncset.done $0x0  }
0xc0: {  	s23 =	sadd.s32 $0x2780, s23;
	[sflag:s21] =	ssyncadd.s32 $0xFFFFF000  }
0xc1: {  	[spmem:s1] =	stream.indirect.scatter.add.f32 [tilespmem:s20], [sflag:$0x2], $0x20, s23, s19, $0xb8;
	[tilespmem:$0xFF00] =	vst v63  }
0xc2: {  	_ =	swait.ge [sflag:s16], $0x1000  }
0xc3: {  	[sflag:s16] =	ssyncset.done $0x0  }
0xc4: {  	[sflag:s16] =	ssyncadd.s32 $0xFFFFF000  }
0xc5: {  	[bflag:$0x0] =	sbarrier.arrive $0xFFFF  }
0xc6: {  	[tilespmem:s18], [sflag:$0x2] =	stream.linear.gather [spmem:s10], $0x5000, $0x38;
	[tilespmem:$0xFF00] =	vst v63  }
0xc7: {  	s22 =	sadd.s32 $0x1, s22;
	_ =	swait.ge [sflag:s16], $0x5000  }
0xc8: {  	p0 =	sne.s32 s22, s15;
	[sflag:s16] =	ssyncset.done $0x0  }
.Ltmp8:
0xc9: {  	[sflag:s16] =	ssyncadd.s32 $0xFFFFB000;
	(pc) =	sbr.rel @p0 .LBB2_1-.Ltmp8, $4  }
0xca: {  	[hbm4b:s14+s3] =	stream.linear.scatter [tilespmem:s18], [sflag:$0x2], $0x5000, $0x38;
	[tilespmem:$0xFF00] =	vst v63  }
0xcb: {  	_ =	swait.ge [sflag:s16], $0x5000  }
0xcc: {  	[sflag:s16] =	ssyncset.done $0x0  }
0xcd: {  	[sflag:s16] =	ssyncadd.s32 $0xFFFFB000  }
0xce: {  	_ =	sfence.sel $0x180000  }
0xcf: {  	[bflag:$0x0] =	sbarrier.arrive $0xFFFF  }
0xd0: {  	p0 =	sne.s32 s2, $0x0;
	_ =	strace $0x9000004A  }
0xd1: {  	s0 =	sadd.s32 @!p0 $0x100000, s0;
	[bflag:$0x2] =	sbarrier.arrive $0xFFFF  }
0xd2: {  	[sflag:s0] =	ssyncadd.tile.s32 @!p0 $0x1;
	_ =	shalt  }
.Lfunc_end2:
_tile_overlayer_lowered:
.L_overlay_start_2:
0xd3: {  	(tag) =	ssettag $0x2  }
0xd4: {  	s0 =	rddreg [dreg:$0x0];
	s2 =	stileid.u32  }
0xd5: {  	s1 =	rddreg [dreg:$0x1];
	p0 =	sne.s32 s2, $0x0  }
0xd6: {  	s3 =	rddreg [dreg:$0x2];
	[bflag:$0x3] =	sbarrier.arrive $0xFFFF;
	s2 =	simm.s32 @!p0 $0x1C02  }
0xd7: {  	[timem:s3], [sflag:s2] =	dma.local @!p0 [hbm:s0], s1  }
0xd8: {  	s0 =	simm.s32 @!p0 $0x2  }
0xd9: {  	_ =	swait.ge @!p0 [sflag:s0], s1  }
0xda: {  	s1 =	ssub.s32 @!p0 $0x0, s1;
	[sflag:s0] =	ssyncset.done @!p0 $0x0  }
0xdb: {  	[sflag:s0] =	ssyncadd.s32 @!p0 s1  }
0xdc: {  	[bflag:$0x3] =	sbarrier.arrive $0xFFFF  }
0xdd: {  	_ =	shalt  }

</sc_bundles>
